<compile_context>
chip_gen: v7x
topology: tpu7x:2x2x1
jax: 0.10.2.dev20260603
libtpu: 0.0.44.dev20260713+nightly
codegen_flags: <defaults>
</compile_context>

<pallas_src>
import functools

import jax
import jax.numpy as jnp
from jax import lax
from jax.experimental import pallas as pl
from jax.experimental.pallas import tpu as pltpu
from jax.experimental.pallas import tpu_sc as plsc

_N = 10000
_E = 320000
_D = 128
_NC = 2
_NS = 16
_CHUNK = 80
_RSUB = 624
_RLAST = _N - _RSUB * (_NS - 1)

_mesh = plsc.VectorSubcoreMesh(core_axis_name="c", subcore_axis_name="s")


@functools.partial(
    pl.kernel,
    out_type=jax.ShapeDtypeStruct((_NC, _N), jnp.float32),
    mesh=_mesh,
    scratch_types=[
        pltpu.VMEM((_CHUNK,), jnp.int32),
        pltpu.VMEM((_CHUNK,), jnp.float32),
        pltpu.VMEM_SHARED((_N,), jnp.float32),
    ],
)
def _sc_degree(dst_hbm, zeros_hbm, out_hbm, didx, ones_v, acc):
    cid = lax.axis_index("c")
    sid = lax.axis_index("s")
    wid = sid * _NC + cid

    @pl.when(sid == 0)
    def _():
        pltpu.sync_copy(zeros_hbm, acc)

    for i in range(_CHUNK // 16):
        ones_v[pl.ds(16 * i, 16)] = jnp.ones((16,), jnp.float32)
    plsc.subcore_barrier()

    epw = _E // (_NC * _NS)

    def step(g, carry):
        base = pl.multiple_of(wid * epw + g * _CHUNK, 8)
        pltpu.sync_copy(dst_hbm.at[pl.ds(base, _CHUNK)], didx)
        pltpu.sync_copy(ones_v, acc.at[didx], add=True)
        return carry

    lax.fori_loop(0, epw // _CHUNK, step, 0)
    plsc.subcore_barrier()

    @pl.when(sid == 0)
    def _():
        pltpu.sync_copy(acc, out_hbm.at[cid])


@functools.partial(
    pl.kernel,
    out_type=jax.ShapeDtypeStruct((_NC, _N, _D), jnp.float32),
    mesh=_mesh,
    scratch_types=[
        pltpu.VMEM((_CHUNK,), jnp.int32),
        pltpu.VMEM((_CHUNK,), jnp.int32),
        pltpu.VMEM((_CHUNK, _D), jnp.float32),
        pltpu.VMEM_SHARED((_N, _D), jnp.float32),
        pltpu.SemaphoreType.DMA,
    ],
)
def _sc_mp1(table_hbm, src_hbm, dst_hbm, zeros_hbm, out_hbm,
            sidx, didx, rows, acc, sem):
    cid = lax.axis_index("c")
    sid = lax.axis_index("s")
    wid = sid * _NC + cid
    lo = pl.multiple_of(sid * _RSUB, 8)

    @pl.when(sid < _NS - 1)
    def _():
        pltpu.sync_copy(zeros_hbm.at[pl.ds(0, _RSUB)], acc.at[pl.ds(lo, _RSUB)])

    @pl.when(sid == _NS - 1)
    def _():
        pltpu.sync_copy(zeros_hbm, acc.at[pl.ds(_N - _RLAST, _RLAST)])

    plsc.subcore_barrier()

    epw = _E // (_NC * _NS)

    def step(g, carry):
        base = pl.multiple_of(wid * epw + g * _CHUNK, 8)
        pltpu.sync_copy(src_hbm.at[pl.ds(base, _CHUNK)], sidx)
        pltpu.async_copy(table_hbm.at[sidx], rows, sem).wait()
        pltpu.sync_copy(dst_hbm.at[pl.ds(base, _CHUNK)], didx)
        pltpu.sync_copy(rows, acc.at[didx], add=True)
        return carry

    lax.fori_loop(0, epw // _CHUNK, step, 0)
    plsc.subcore_barrier()

    @pl.when(sid < _NS - 1)
    def _():
        pltpu.sync_copy(acc.at[pl.ds(lo, _RSUB)],
                        out_hbm.at[cid, pl.ds(lo, _RSUB)])

    @pl.when(sid == _NS - 1)
    def _():
        pltpu.sync_copy(acc.at[pl.ds(_N - _RLAST, _RLAST)],
                        out_hbm.at[cid, pl.ds(_N - _RLAST, _RLAST)])


@functools.partial(
    pl.kernel,
    out_type=jax.ShapeDtypeStruct((_NC, _N, _D), jnp.float32),
    mesh=_mesh,
    scratch_types=[
        pltpu.VMEM((_CHUNK,), jnp.int32),
        pltpu.VMEM((_CHUNK,), jnp.int32),
        pltpu.VMEM((_CHUNK, _D), jnp.float32),
        pltpu.VMEM_SHARED((_N, _D), jnp.float32),
        pltpu.SemaphoreType.DMA,
    ],
)
def _sc_mp2(table_e_hbm, table_d_hbm, src_hbm, dst_hbm, zeros_hbm, out_hbm,
            sidx, didx, rows, acc, sem):
    cid = lax.axis_index("c")
    sid = lax.axis_index("s")
    lo = pl.multiple_of(sid * _RSUB, 8)

    @pl.when(sid < _NS - 1)
    def _():
        pltpu.sync_copy(zeros_hbm.at[pl.ds(0, _RSUB)], acc.at[pl.ds(lo, _RSUB)])

    @pl.when(sid == _NS - 1)
    def _():
        pltpu.sync_copy(zeros_hbm, acc.at[pl.ds(_N - _RLAST, _RLAST)])

    plsc.subcore_barrier()

    epw = _E // _NS

    def make_step(table_hbm):
        def step(g, carry):
            base = pl.multiple_of(sid * epw + g * _CHUNK, 8)
            pltpu.sync_copy(src_hbm.at[pl.ds(base, _CHUNK)], sidx)
            pltpu.async_copy(table_hbm.at[sidx], rows, sem).wait()
            pltpu.sync_copy(dst_hbm.at[pl.ds(base, _CHUNK)], didx)
            pltpu.sync_copy(rows, acc.at[didx], add=True)
            return carry
        return step

    @pl.when(cid == 0)
    def _():
        lax.fori_loop(0, epw // _CHUNK, make_step(table_e_hbm), 0)

    @pl.when(cid == 1)
    def _():
        lax.fori_loop(0, epw // _CHUNK, make_step(table_d_hbm), 0)

    plsc.subcore_barrier()

    @pl.when(sid < _NS - 1)
    def _():
        pltpu.sync_copy(acc.at[pl.ds(lo, _RSUB)],
                        out_hbm.at[cid, pl.ds(lo, _RSUB)])

    @pl.when(sid == _NS - 1)
    def _():
        pltpu.sync_copy(acc.at[pl.ds(_N - _RLAST, _RLAST)],
                        out_hbm.at[cid, pl.ds(_N - _RLAST, _RLAST)])


_BLK = 1000
_NBLK = _N // _BLK


def _tc_prep_body(deg2t_ref, x_ref, dinv_ref, xs_ref):
    d2 = deg2t_ref[...]
    total = d2[:, 0:1] + d2[:, 1:2]
    dcol = jnp.where(total > 0, lax.rsqrt(total), 0.0)
    dinv_ref[...] = dcol
    xs_ref[...] = x_ref[...] * dcol


def _tc_prep(deg2t, x):
    return pl.pallas_call(
        _tc_prep_body,
        grid=(_NBLK,),
        in_specs=[
            pl.BlockSpec((_BLK, _NC), lambda i: (i, 0)),
            pl.BlockSpec((_BLK, _D), lambda i: (i, 0)),
        ],
        out_specs=[
            pl.BlockSpec((_BLK, 1), lambda i: (i, 0)),
            pl.BlockSpec((_BLK, _D), lambda i: (i, 0)),
        ],
        out_shape=[
            jax.ShapeDtypeStruct((_N, 1), jnp.float32),
            jax.ShapeDtypeStruct((_N, _D), jnp.float32),
        ],
    )(deg2t, x)


def _tc_mid_body(agg_ref, dinv_ref, w1et_ref, b1e_ref, w1dt_ref, b1d_ref,
                 h1e_ref, h1d_ref, ht_ref):
    dcol = dinv_ref[...]
    xa = (agg_ref[0] + agg_ref[1]) * dcol
    h1e = jnp.tanh(jnp.dot(xa, w1et_ref[...],
                           preferred_element_type=jnp.float32, precision=lax.Precision.HIGHEST) + b1e_ref[...])
    h1d = jnp.tanh(jnp.dot(xa, w1dt_ref[...],
                           preferred_element_type=jnp.float32, precision=lax.Precision.HIGHEST) + b1d_ref[...])
    h1e_ref[...] = h1e
    h1d_ref[...] = h1d
    ht_ref[0] = h1e * dcol
    ht_ref[1] = h1d * dcol


def _tc_mid(agg0, dinv, w1et, b1e, w1dt, b1d):
    wspec = pl.BlockSpec((_D, _D), lambda i: (0, 0))
    bspec = pl.BlockSpec((1, _D), lambda i: (0, 0))
    return pl.pallas_call(
        _tc_mid_body,
        grid=(_NBLK,),
        in_specs=[
            pl.BlockSpec((_NC, _BLK, _D), lambda i: (0, i, 0)),
            pl.BlockSpec((_BLK, 1), lambda i: (i, 0)),
            wspec, bspec, wspec, bspec,
        ],
        out_specs=[
            pl.BlockSpec((_BLK, _D), lambda i: (i, 0)),
            pl.BlockSpec((_BLK, _D), lambda i: (i, 0)),
            pl.BlockSpec((_NC, _BLK, _D), lambda i: (0, i, 0)),
        ],
        out_shape=[
            jax.ShapeDtypeStruct((_N, _D), jnp.float32),
            jax.ShapeDtypeStruct((_N, _D), jnp.float32),
            jax.ShapeDtypeStruct((_NC, _N, _D), jnp.float32),
        ],
    )(agg0, dinv, w1et, b1e, w1dt, b1d)


def _ln(v, w, b):
    mu = jnp.mean(v, axis=-1, keepdims=True)
    var = jnp.mean((v - mu) * (v - mu), axis=-1, keepdims=True)
    return (v - mu) * lax.rsqrt(var + 1e-5) * w + b


def _tc_fin_body(agg_ref, dinv_ref, h1e_ref, h1d_ref,
                 w2et_ref, b2e_ref, w2dt_ref, b2d_ref,
                 wlet_ref, ble_ref, wldt_ref, bld_ref,
                 lnwe_ref, lnbe_ref, lnwd_ref, lnbd_ref,
                 ne_ref, sums_ref, sumsq_ref):
    dcol = dinv_ref[...]
    xae = agg_ref[0] * dcol
    xad = agg_ref[1] * dcol
    h2e = jnp.tanh(jnp.dot(xae, w2et_ref[...],
                           preferred_element_type=jnp.float32, precision=lax.Precision.HIGHEST) + b2e_ref[...])
    h2d = jnp.tanh(jnp.dot(xad, w2dt_ref[...],
                           preferred_element_type=jnp.float32, precision=lax.Precision.HIGHEST) + b2d_ref[...])
    jke = jnp.maximum(h1e_ref[...], h2e)
    jkd = jnp.maximum(h1d_ref[...], h2d)
    oe = jnp.dot(jke, wlet_ref[...], preferred_element_type=jnp.float32, precision=lax.Precision.HIGHEST) + ble_ref[...]
    od = jnp.dot(jkd, wldt_ref[...], preferred_element_type=jnp.float32, precision=lax.Precision.HIGHEST) + bld_ref[...]
    oe = _ln(oe, lnwe_ref[...], lnbe_ref[...])
    od = _ln(od, lnwd_ref[...], lnbd_ref[...])
    ne = (oe + od) * 0.5
    ne_ref[...] = ne
    sums_ref[0] = jnp.sum(ne, axis=0, keepdims=True)
    sumsq_ref[0] = jnp.sum(ne * ne, axis=0, keepdims=True)


def _tc_fin(agg1, dinv, h1e, h1d, w2et, b2e, w2dt, b2d,
            wlet, ble, wldt, bld, lnwe, lnbe, lnwd, lnbd):
    wspec = pl.BlockSpec((_D, _D), lambda i: (0, 0))
    bspec = pl.BlockSpec((1, _D), lambda i: (0, 0))
    return pl.pallas_call(
        _tc_fin_body,
        grid=(_NBLK,),
        in_specs=[
            pl.BlockSpec((_NC, _BLK, _D), lambda i: (0, i, 0)),
            pl.BlockSpec((_BLK, 1), lambda i: (i, 0)),
            pl.BlockSpec((_BLK, _D), lambda i: (i, 0)),
            pl.BlockSpec((_BLK, _D), lambda i: (i, 0)),
            wspec, bspec, wspec, bspec,
            wspec, bspec, wspec, bspec,
            bspec, bspec, bspec, bspec,
        ],
        out_specs=[
            pl.BlockSpec((_BLK, _D), lambda i: (i, 0)),
            pl.BlockSpec((1, 1, _D), lambda i: (i, 0, 0)),
            pl.BlockSpec((1, 1, _D), lambda i: (i, 0, 0)),
        ],
        out_shape=[
            jax.ShapeDtypeStruct((_N, _D), jnp.float32),
            jax.ShapeDtypeStruct((_NBLK, 1, _D), jnp.float32),
            jax.ShapeDtypeStruct((_NBLK, 1, _D), jnp.float32),
        ],
    )(agg1, dinv, h1e, h1d, w2et, b2e, w2dt, b2d,
      wlet, ble, wldt, bld, lnwe, lnbe, lnwd, lnbd)


def _tc_head_body(ne_ref, sums_ref, sumsq_ref, bnw_ref, bnb_ref, lin_ref,
                  out_ref):
    n = jnp.float32(_N)
    mu = jnp.sum(sums_ref[:, 0, :], axis=0) / n
    q = jnp.sum(sumsq_ref[:, 0, :], axis=0) / n
    var = q - mu * mu
    inv = lax.rsqrt(var + 1e-5)
    wp = lin_ref[0, :] * bnw_ref[0, :] * inv
    c = jnp.sum(lin_ref[0, :] * (bnb_ref[0, :] - mu * inv * bnw_ref[0, :]))
    out_ref[...] = jnp.dot(ne_ref[...], wp[:, None],
                           preferred_element_type=jnp.float32, precision=lax.Precision.HIGHEST) + c


def _tc_head(ne, sums, sumsq, bnw, bnb, lin):
    bspec = pl.BlockSpec((1, _D), lambda i: (0, 0))
    return pl.pallas_call(
        _tc_head_body,
        grid=(_NBLK,),
        in_specs=[
            pl.BlockSpec((_BLK, _D), lambda i: (i, 0)),
            pl.BlockSpec((_NBLK, 1, _D), lambda i: (0, 0, 0)),
            pl.BlockSpec((_NBLK, 1, _D), lambda i: (0, 0, 0)),
            bspec, bspec, bspec,
        ],
        out_specs=pl.BlockSpec((_BLK, 1), lambda i: (i, 0)),
        out_shape=jax.ShapeDtypeStruct((_N, 1), jnp.float32),
    )(ne, sums, sumsq, bnw, bnb, lin)


def kernel(x, edge_index, enc_W1, enc_b1, enc_W2, enc_b2, enc_Wl, enc_bl,
           enc_ln_w, enc_ln_b, dec_W1, dec_b1, dec_W2, dec_b2, dec_Wl, dec_bl,
           dec_ln_w, dec_ln_b, bn_w, bn_b, lin_W):
    src = edge_index[0]
    dst = edge_index[1]
    zeros_deg = jnp.zeros((_N,), jnp.float32)
    zeros_rows = jnp.zeros((_RLAST, _D), jnp.float32)

    deg2 = _sc_degree(dst, zeros_deg)
    dinv, xs = _tc_prep(deg2.T, x)

    agg0 = _sc_mp1(xs, src, dst, zeros_rows)

    row = lambda v: v.reshape(1, _D)
    h1e, h1d, ht = _tc_mid(agg0, dinv, enc_W1.T, row(enc_b1),
                           dec_W1.T, row(dec_b1))

    agg1 = _sc_mp2(ht[0], ht[1], src, dst, zeros_rows)

    ne, sums, sumsq = _tc_fin(
        agg1, dinv, h1e, h1d, enc_W2.T, row(enc_b2), dec_W2.T, row(dec_b2),
        enc_Wl.T, row(enc_bl), dec_Wl.T, row(dec_bl),
        row(enc_ln_w), row(enc_ln_b), row(dec_ln_w), row(dec_ln_b))

    out = _tc_head(ne, sums, sumsq, row(bn_w), row(bn_b), lin_W)
    return out[:, 0]

# --- scband reference (transcript-rebuilt; emitter-appended) ---
"""Pipeline reference for scband-parameter-property-predictor-28527172780152 (READ-ONLY COPY).

The authoritative reference and input builder live on the scoring server;
editing this copy changes nothing except your own understanding.
"""

import jax, jax.numpy as jnp
import numpy as np

N = 10000
E = 320000
D_IN = 128
D_H = 128
D_OUT = 128


def _gcn_conv(x, src, dst, W, b, n):
    # GCNConv with add_self_loops=False, symmetric normalization
    ew = jnp.ones(src.shape[0], dtype=x.dtype)
    deg = jnp.zeros((n,), dtype=x.dtype).at[dst].add(ew)
    dinv = jnp.where(deg > 0, 1.0 / jnp.sqrt(jnp.where(deg > 0, deg, 1.0)), 0.0)
    norm = dinv[src] * dinv[dst]
    h = x @ W.T
    out = jnp.zeros((n, h.shape[1]), dtype=x.dtype).at[dst].add(h[src] * norm[:, None])
    return out + b


def _gnn(x, src, dst, W1, b1, W2, b2, Wl, bl, n):
    # PyG BasicGNN(GCN) with num_layers=2, act='tanh', jk='max', out_channels set
    h1 = jnp.tanh(_gcn_conv(x, src, dst, W1, b1, n))
    h2 = jnp.tanh(_gcn_conv(h1, src, dst, W2, b2, n))
    hjk = jnp.maximum(h1, h2)
    return hjk @ Wl.T + bl


def _layernorm(x, w, b, eps=1e-5):
    mu = jnp.mean(x, axis=-1, keepdims=True)
    var = jnp.var(x, axis=-1, keepdims=True)
    return (x - mu) / jnp.sqrt(var + eps) * w + b


def setup_inputs(seed: int = 0):
    key = jax.random.key(seed)
    ks = jax.random.split(key, 24)

    def p(k, shape):
        return 0.05 * jax.random.normal(k, shape, dtype=jnp.float32)

    inp = {
        "x": jax.random.normal(ks[0], (N, D_IN), dtype=jnp.float32),
        "edge_index": jax.random.randint(ks[1], (2, E), 0, N, dtype=jnp.int32),
        "enc_W1": p(ks[2], (D_H, D_IN)),
        "enc_b1": jnp.zeros((D_H,), jnp.float32),
        "enc_W2": p(ks[3], (D_H, D_H)),
        "enc_b2": jnp.zeros((D_H,), jnp.float32),
        "enc_Wl": p(ks[4], (D_OUT, D_H)),
        "enc_bl": jnp.zeros((D_OUT,), jnp.float32),
        "enc_ln_w": jnp.ones((D_OUT,), jnp.float32),
        "enc_ln_b": jnp.zeros((D_OUT,), jnp.float32),
        "dec_W1": p(ks[5], (D_H, D_IN)),
        "dec_b1": jnp.zeros((D_H,), jnp.float32),
        "dec_W2": p(ks[6], (D_H, D_H)),
        "dec_b2": jnp.zeros((D_H,), jnp.float32),
        "dec_Wl": p(ks[7], (D_OUT, D_H)),
        "dec_bl": jnp.zeros((D_OUT,), jnp.float32),
        "dec_ln_w": jnp.ones((D_OUT,), jnp.float32),
        "dec_ln_b": jnp.zeros((D_OUT,), jnp.float32),
        "bn_w": jnp.ones((D_OUT,), jnp.float32),
        "bn_b": jnp.zeros((D_OUT,), jnp.float32),
        "lin_W": p(ks[8], (1, D_OUT)),
    }
    return inp


def reference(x, edge_index, enc_W1, enc_b1, enc_W2, enc_b2, enc_Wl, enc_bl,
              enc_ln_w, enc_ln_b, dec_W1, dec_b1, dec_W2, dec_b2, dec_Wl, dec_bl,
              dec_ln_w, dec_ln_b, bn_w, bn_b, lin_W):
    src = edge_index[0]
    dst = edge_index[1]
    fwd = _gnn(x, src, dst, enc_W1, enc_b1, enc_W2, enc_b2, enc_Wl, enc_bl, N)
    fwd = _layernorm(fwd, enc_ln_w, enc_ln_b)
    bwd = _gnn(x, src, dst, dec_W1, dec_b1, dec_W2, dec_b2, dec_Wl, dec_bl, N)
    bwd = _layernorm(bwd, dec_ln_w, dec_ln_b)
    ne = (fwd + bwd) / 2.0  # reduce='mean'
    # BatchNorm1d (training mode, batch statistics, biased variance)
    mu = jnp.mean(ne, axis=0)
    var = jnp.var(ne, axis=0)
    ne = (ne - mu) / jnp.sqrt(var + 1e-5) * bn_w + bn_b
    out = (ne @ lin_W.T)[:, 0]
    return out

if __name__ == "__main__":
    import jax
    _d = setup_inputs()
    print(jax.jit(kernel)(*tuple(_d.values())))

</pallas_src>

<mosaic_0001>
#map = affine_map<(d0, d1) -> (0)>
#map1 = affine_map<(d0, d1) -> (0, 0)>
module attributes {stable_mosaic.version = 14 : i64} {
  func.func @_sc_degree(%arg0: i32, %arg1: i32, %arg2: memref<320000xi32, #tpu.memory_space<hbm>>, %arg3: memref<10000xf32, #tpu.memory_space<hbm>>, %arg4: memref<2x10000xf32, #tpu.memory_space<hbm>>, %arg5: memref<80xi32, #tpu.memory_space<vmem>>, %arg6: memref<80xf32, #tpu.memory_space<vmem>>, %arg7: memref<10000xf32, #tpu.memory_space<vmem_shared>>) attributes {dimension_semantics = [#tpu.dimension_semantics<core_parallel>, #tpu.dimension_semantics<subcore_parallel>], iteration_bounds = array<i64: 2, 16>, scalar_prefetch = 0 : i64, scratch_operands = 3 : i64, tpu.core_type = #tpu.core_type<sc_vector_subcore>, window_params = [{transform_indices = #map}, {transform_indices = #map}, {transform_indices = #map1}]} {
    %mul3A = arith.constant 2 : i32
    %mul3A_0 = arith.muli %arg1, %mul3A : i32
    %add3A = arith.addi %mul3A_0, %arg0 : i32
    %eq3A = arith.constant 0 : i32
    %eq3A_1 = arith.cmpi eq, %arg1, %eq3A : i32
    %convert_element_type3A = arith.extui %eq3A_1 : i1 to i32
    %cond3A = arith.constant 0 : i32
    %cond3A_2 = arith.cmpi ne, %convert_element_type3A, %cond3A : i32
    scf.if %cond3A_2 {
      "tpu.region"() ({
        %run_scoped3A = tpu.sem_alloc : memref<!tpu.dma_semaphore, #tpu.memory_space<semaphore_mem>>
        tpu.enqueue_dma source(%arg3 : memref<10000xf32, #tpu.memory_space<hbm>>) target(%arg7 : memref<10000xf32, #tpu.memory_space<vmem_shared>>) target_semaphore(%run_scoped3A : memref<!tpu.dma_semaphore, #tpu.memory_space<semaphore_mem>>)
        tpu.wait_dma2 semaphore(%run_scoped3A : memref<!tpu.dma_semaphore, #tpu.memory_space<semaphore_mem>>) src(%arg3 : memref<10000xf32, #tpu.memory_space<hbm>>) dst(%arg7 : memref<10000xf32, #tpu.memory_space<vmem_shared>>)
        tpu.yield
      }) : () -> ()
    } else {
    }
    %broadcast_in_dim3A = arith.constant 1.000000e+00 : f32
    %broadcast_in_dim3A_3 = vector.broadcast %broadcast_in_dim3A : f32 to vector<16xf32>
    %swap3A = arith.constant 0 : index
    %swap3A_4 = tpu.vector_load %arg6[%swap3A] {strides = array<i32>} : memref<80xf32, #tpu.memory_space<vmem>>, vector<16xf32>,
    %swap3A_5 = vector.shape_cast %swap3A_4 : vector<16xf32> to vector<16xf32>
    %swap3A_6 = vector.shape_cast %broadcast_in_dim3A_3 : vector<16xf32> to vector<16xf32>
    tpu.vector_store %arg6[%swap3A], %swap3A_6 {strides = array<i32>} : memref<80xf32, #tpu.memory_space<vmem>>, vector<16xf32>,
    %broadcast_in_dim3A_7 = arith.constant 1.000000e+00 : f32
    %broadcast_in_dim3A_8 = vector.broadcast %broadcast_in_dim3A_7 : f32 to vector<16xf32>
    %swap3A_9 = arith.constant 16 : index
    %swap3A_10 = tpu.vector_load %arg6[%swap3A_9] {strides = array<i32>} : memref<80xf32, #tpu.memory_space<vmem>>, vector<16xf32>,
    %swap3A_11 = vector.shape_cast %swap3A_10 : vector<16xf32> to vector<16xf32>
    %swap3A_12 = vector.shape_cast %broadcast_in_dim3A_8 : vector<16xf32> to vector<16xf32>
    tpu.vector_store %arg6[%swap3A_9], %swap3A_12 {strides = array<i32>} : memref<80xf32, #tpu.memory_space<vmem>>, vector<16xf32>,
    %broadcast_in_dim3A_13 = arith.constant 1.000000e+00 : f32
    %broadcast_in_dim3A_14 = vector.broadcast %broadcast_in_dim3A_13 : f32 to vector<16xf32>
    %swap3A_15 = arith.constant 32 : index
    %swap3A_16 = tpu.vector_load %arg6[%swap3A_15] {strides = array<i32>} : memref<80xf32, #tpu.memory_space<vmem>>, vector<16xf32>,
    %swap3A_17 = vector.shape_cast %swap3A_16 : vector<16xf32> to vector<16xf32>
    %swap3A_18 = vector.shape_cast %broadcast_in_dim3A_14 : vector<16xf32> to vector<16xf32>
    tpu.vector_store %arg6[%swap3A_15], %swap3A_18 {strides = array<i32>} : memref<80xf32, #tpu.memory_space<vmem>>, vector<16xf32>,
    %broadcast_in_dim3A_19 = arith.constant 1.000000e+00 : f32
    %broadcast_in_dim3A_20 = vector.broadcast %broadcast_in_dim3A_19 : f32 to vector<16xf32>
    %swap3A_21 = arith.constant 48 : index
    %swap3A_22 = tpu.vector_load %arg6[%swap3A_21] {strides = array<i32>} : memref<80xf32, #tpu.memory_space<vmem>>, vector<16xf32>,
    %swap3A_23 = vector.shape_cast %swap3A_22 : vector<16xf32> to vector<16xf32>
    %swap3A_24 = vector.shape_cast %broadcast_in_dim3A_20 : vector<16xf32> to vector<16xf32>
    tpu.vector_store %arg6[%swap3A_21], %swap3A_24 {strides = array<i32>} : memref<80xf32, #tpu.memory_space<vmem>>, vector<16xf32>,
    %broadcast_in_dim3A_25 = arith.constant 1.000000e+00 : f32
    %broadcast_in_dim3A_26 = vector.broadcast %broadcast_in_dim3A_25 : f32 to vector<16xf32>
    %swap3A_27 = arith.constant 64 : index
    %swap3A_28 = tpu.vector_load %arg6[%swap3A_27] {strides = array<i32>} : memref<80xf32, #tpu.memory_space<vmem>>, vector<16xf32>,
    %swap3A_29 = vector.shape_cast %swap3A_28 : vector<16xf32> to vector<16xf32>
    %swap3A_30 = vector.shape_cast %broadcast_in_dim3A_26 : vector<16xf32> to vector<16xf32>
    tpu.vector_store %arg6[%swap3A_27], %swap3A_30 {strides = array<i32>} : memref<80xf32, #tpu.memory_space<vmem>>, vector<16xf32>,
    %barrier3A = arith.constant 0 : index
    tpu.barrier barrier_id(%barrier3A)
    %scan3A = arith.constant 0 : i32
    %scan3A_31 = arith.constant 0 : i32
    %scan3A_32 = arith.constant 125 : i32
    %scan3A_33 = arith.addi %scan3A_31, %scan3A_32 : i32
    %scan3A_34 = arith.constant 1 : i32
    scf.for %scan3A_42 = %scan3A_31 to %scan3A_33 step %scan3A_34  : i32 {
      %mul3A_43 = arith.constant 10000 : i32
      %mul3A_44 = arith.muli %add3A, %mul3A_43 : i32
      %mul3A_45 = arith.constant 80 : i32
      %mul3A_46 = arith.muli %scan3A_42, %mul3A_45 : i32
      %add3A_47 = arith.addi %mul3A_44, %mul3A_46 : i32
      %multiple_of3A = tpu.assume_multiple %add3A_47, 8 : i32
      "tpu.region"() ({
        %run_scoped3A = tpu.sem_alloc : memref<!tpu.dma_semaphore, #tpu.memory_space<semaphore_mem>>
        %dma_start3A = tpu.memref_slice %arg2[%multiple_of3A] : memref<320000xi32, #tpu.memory_space<hbm>> -> memref<80xi32, #tpu.memory_space<hbm>>
        %dma_start3A_48 = tpu.memref_slice %arg2[%multiple_of3A] : memref<320000xi32, #tpu.memory_space<hbm>> -> memref<80xi32, #tpu.memory_space<hbm>>
        tpu.enqueue_dma source(%dma_start3A_48 : memref<80xi32, #tpu.memory_space<hbm>>) target(%arg5 : memref<80xi32, #tpu.memory_space<vmem>>) target_semaphore(%run_scoped3A : memref<!tpu.dma_semaphore, #tpu.memory_space<semaphore_mem>>)
        %dma_wait3A = tpu.memref_slice %arg2[%multiple_of3A] : memref<320000xi32, #tpu.memory_space<hbm>> -> memref<80xi32, #tpu.memory_space<hbm>>
        %dma_wait3A_49 = tpu.memref_slice %arg2[%multiple_of3A] : memref<320000xi32, #tpu.memory_space<hbm>> -> memref<80xi32, #tpu.memory_space<hbm>>
        tpu.wait_dma2 semaphore(%run_scoped3A : memref<!tpu.dma_semaphore, #tpu.memory_space<semaphore_mem>>) src(%dma_wait3A_49 : memref<80xi32, #tpu.memory_space<hbm>>) dst(%arg5 : memref<80xi32, #tpu.memory_space<vmem>>)
        tpu.yield
      }) : () -> ()
      "tpu.region"() ({
        %run_scoped3A = tpu.sem_alloc : memref<!tpu.dma_semaphore, #tpu.memory_space<semaphore_mem>>
        %dma_start3A = arith.constant 0 : i32
        %dma_start3A_48 = tpu.memref_slice %arg7[%dma_start3A] : memref<10000xf32, #tpu.memory_space<vmem_shared>> -> memref<10000xf32, #tpu.memory_space<vmem_shared>>
        tpu.enqueue_indirect_dma source(%arg6 : memref<80xf32, #tpu.memory_space<vmem>>) target(%dma_start3A_48 : memref<10000xf32, #tpu.memory_space<vmem_shared>>) offsets(%arg5 : memref<80xi32, #tpu.memory_space<vmem>>) semaphore(%run_scoped3A : memref<!tpu.dma_semaphore, #tpu.memory_space<semaphore_mem>>) {add = true}
        %dma_wait3A = arith.constant 0 : i32
        %dma_wait3A_49 = tpu.memref_slice %arg7[%dma_wait3A] : memref<10000xf32, #tpu.memory_space<vmem_shared>> -> memref<10000xf32, #tpu.memory_space<vmem_shared>>
        tpu.wait_indirect_dma semaphore(%run_scoped3A : memref<!tpu.dma_semaphore, #tpu.memory_space<semaphore_mem>>) src(%arg6 : memref<80xf32, #tpu.memory_space<vmem>>) dst(%dma_wait3A_49 : memref<10000xf32, #tpu.memory_space<vmem_shared>>)
        tpu.yield
      }) : () -> ()
    }
    %scan3A_35 = arith.constant 125 : i32
    %barrier3A_36 = arith.constant 0 : index
    tpu.barrier barrier_id(%barrier3A_36)
    %eq3A_37 = arith.constant 0 : i32
    %eq3A_38 = arith.cmpi eq, %arg1, %eq3A_37 : i32
    %convert_element_type3A_39 = arith.extui %eq3A_38 : i1 to i32
    %cond3A_40 = arith.constant 0 : i32
    %cond3A_41 = arith.cmpi ne, %convert_element_type3A_39, %cond3A_40 : i32
    scf.if %cond3A_41 {
      "tpu.region"() ({
        %run_scoped3A = tpu.sem_alloc : memref<!tpu.dma_semaphore, #tpu.memory_space<semaphore_mem>>
        %dma_start3A = arith.constant 0 : i32
        %dma_start3A_42 = tpu.memref_slice %arg4[%arg0, %dma_start3A] : memref<2x10000xf32, #tpu.memory_space<hbm>> -> memref<1x10000xf32, #tpu.memory_space<hbm>>
        %dma_start3A_43 = tpu.memref_squeeze %dma_start3A_42 : memref<1x10000xf32, #tpu.memory_space<hbm>> -> memref<10000xf32, #tpu.memory_space<hbm>>
        tpu.enqueue_dma source(%arg7 : memref<10000xf32, #tpu.memory_space<vmem_shared>>) target(%dma_start3A_43 : memref<10000xf32, #tpu.memory_space<hbm>>) target_semaphore(%run_scoped3A : memref<!tpu.dma_semaphore, #tpu.memory_space<semaphore_mem>>)
        %dma_wait3A = arith.constant 0 : i32
        %dma_wait3A_44 = tpu.memref_slice %arg4[%arg0, %dma_wait3A] : memref<2x10000xf32, #tpu.memory_space<hbm>> -> memref<1x10000xf32, #tpu.memory_space<hbm>>
        %dma_wait3A_45 = tpu.memref_squeeze %dma_wait3A_44 : memref<1x10000xf32, #tpu.memory_space<hbm>> -> memref<10000xf32, #tpu.memory_space<hbm>>
        tpu.wait_dma2 semaphore(%run_scoped3A : memref<!tpu.dma_semaphore, #tpu.memory_space<semaphore_mem>>) src(%arg7 : memref<10000xf32, #tpu.memory_space<vmem_shared>>) dst(%dma_wait3A_45 : memref<10000xf32, #tpu.memory_space<hbm>>)
        tpu.yield
      }) : () -> ()
    } else {
    }
    return
  }
}

#map = affine_map<(d0, d1) -> (0, 0)>
#map1 = affine_map<(d0, d1) -> (0)>
#map2 = affine_map<(d0, d1) -> (0, 0, 0)>
module attributes {stable_mosaic.version = 14 : i64} {
  func.func @_sc_mp2(%arg0: i32, %arg1: i32, %arg2: memref<10000x128xf32, #tpu.memory_space<hbm>>, %arg3: memref<10000x128xf32, #tpu.memory_space<hbm>>, %arg4: memref<320000xi32, #tpu.memory_space<hbm>>, %arg5: memref<320000xi32, #tpu.memory_space<hbm>>, %arg6: memref<640x128xf32, #tpu.memory_space<hbm>>, %arg7: memref<2x10000x128xf32, #tpu.memory_space<hbm>>, %arg8: memref<80xi32, #tpu.memory_space<vmem>>, %arg9: memref<80xi32, #tpu.memory_space<vmem>>, %arg10: memref<80x128xf32, #tpu.memory_space<vmem>>, %arg11: memref<10000x128xf32, #tpu.memory_space<vmem_shared>>, %arg12: memref<!tpu.dma_semaphore, #tpu.memory_space<semaphore_mem>>) attributes {dimension_semantics = [#tpu.dimension_semantics<core_parallel>, #tpu.dimension_semantics<subcore_parallel>], iteration_bounds = array<i64: 2, 16>, scalar_prefetch = 0 : i64, scratch_operands = 5 : i64, tpu.core_type = #tpu.core_type<sc_vector_subcore>, window_params = [{transform_indices = #map}, {transform_indices = #map}, {transform_indices = #map1}, {transform_indices = #map1}, {transform_indices = #map}, {transform_indices = #map2}]} {
    %mul3A = arith.constant 624 : i32
    %mul3A_0 = arith.muli %arg1, %mul3A : i32
    %multiple_of3A = tpu.assume_multiple %mul3A_0, 8 : i32
    %lt3A = arith.constant 15 : i32
    %lt3A_1 = arith.cmpi slt, %arg1, %lt3A : i32
    %convert_element_type3A = arith.extui %lt3A_1 : i1 to i32
    %cond3A = arith.constant 0 : i32
    %cond3A_2 = arith.cmpi ne, %convert_element_type3A, %cond3A : i32
    scf.if %cond3A_2 {
      "tpu.region"() ({
        %run_scoped3A = tpu.sem_alloc : memref<!tpu.dma_semaphore, #tpu.memory_space<semaphore_mem>>
        %dma_start3A = arith.constant 0 : i32
        %dma_start3A_28 = tpu.memref_slice %arg11[%multiple_of3A, %dma_start3A] : memref<10000x128xf32, #tpu.memory_space<vmem_shared>> -> memref<624x128xf32, #tpu.memory_space<vmem_shared>>
        %dma_start3A_29 = arith.constant 0 : i32
        %dma_start3A_30 = arith.constant 0 : i32
        %dma_start3A_31 = tpu.memref_slice %arg6[%dma_start3A_29, %dma_start3A_30] : memref<640x128xf32, #tpu.memory_space<hbm>> -> memref<624x128xf32, #tpu.memory_space<hbm>>
        tpu.enqueue_dma source(%dma_start3A_31 : memref<624x128xf32, #tpu.memory_space<hbm>>) target(%dma_start3A_28 : memref<624x128xf32, #tpu.memory_space<vmem_shared>>) target_semaphore(%run_scoped3A : memref<!tpu.dma_semaphore, #tpu.memory_space<semaphore_mem>>)
        %dma_wait3A = arith.constant 0 : i32
        %dma_wait3A_32 = tpu.memref_slice %arg11[%multiple_of3A, %dma_wait3A] : memref<10000x128xf32, #tpu.memory_space<vmem_shared>> -> memref<624x128xf32, #tpu.memory_space<vmem_shared>>
        %dma_wait3A_33 = arith.constant 0 : i32
        %dma_wait3A_34 = arith.constant 0 : i32
        %dma_wait3A_35 = tpu.memref_slice %arg6[%dma_wait3A_33, %dma_wait3A_34] : memref<640x128xf32, #tpu.memory_space<hbm>> -> memref<624x128xf32, #tpu.memory_space<hbm>>
        tpu.wait_dma2 semaphore(%run_scoped3A : memref<!tpu.dma_semaphore, #tpu.memory_space<semaphore_mem>>) src(%dma_wait3A_35 : memref<624x128xf32, #tpu.memory_space<hbm>>) dst(%dma_wait3A_32 : memref<624x128xf32, #tpu.memory_space<vmem_shared>>)
        tpu.yield
      }) : () -> ()
    } else {
    }
    %eq3A = arith.constant 15 : i32
    %eq3A_3 = arith.cmpi eq, %arg1, %eq3A : i32
    %convert_element_type3A_4 = arith.extui %eq3A_3 : i1 to i32
    %cond3A_5 = arith.constant 0 : i32
    %cond3A_6 = arith.cmpi ne, %convert_element_type3A_4, %cond3A_5 : i32
    scf.if %cond3A_6 {
      "tpu.region"() ({
        %run_scoped3A = tpu.sem_alloc : memref<!tpu.dma_semaphore, #tpu.memory_space<semaphore_mem>>
        %dma_start3A = arith.constant 9360 : i32
        %dma_start3A_28 = arith.constant 0 : i32
        %dma_start3A_29 = tpu.memref_slice %arg11[%dma_start3A, %dma_start3A_28] : memref<10000x128xf32, #tpu.memory_space<vmem_shared>> -> memref<640x128xf32, #tpu.memory_space<vmem_shared>>
        tpu.enqueue_dma source(%arg6 : memref<640x128xf32, #tpu.memory_space<hbm>>) target(%dma_start3A_29 : memref<640x128xf32, #tpu.memory_space<vmem_shared>>) target_semaphore(%run_scoped3A : memref<!tpu.dma_semaphore, #tpu.memory_space<semaphore_mem>>)
        %dma_wait3A = arith.constant 9360 : i32
        %dma_wait3A_30 = arith.constant 0 : i32
        %dma_wait3A_31 = tpu.memref_slice %arg11[%dma_wait3A, %dma_wait3A_30] : memref<10000x128xf32, #tpu.memory_space<vmem_shared>> -> memref<640x128xf32, #tpu.memory_space<vmem_shared>>
        tpu.wait_dma2 semaphore(%run_scoped3A : memref<!tpu.dma_semaphore, #tpu.memory_space<semaphore_mem>>) src(%arg6 : memref<640x128xf32, #tpu.memory_space<hbm>>) dst(%dma_wait3A_31 : memref<640x128xf32, #tpu.memory_space<vmem_shared>>)
        tpu.yield
      }) : () -> ()
    } else {
    }
    %barrier3A = arith.constant 0 : index
    tpu.barrier barrier_id(%barrier3A)
    %eq3A_7 = arith.constant 0 : i32
    %eq3A_8 = arith.cmpi eq, %arg0, %eq3A_7 : i32
    %convert_element_type3A_9 = arith.extui %eq3A_8 : i1 to i32
    %cond3A_10 = arith.constant 0 : i32
    %cond3A_11 = arith.cmpi ne, %convert_element_type3A_9, %cond3A_10 : i32
    scf.if %cond3A_11 {
      %scan3A = arith.constant 0 : i32
      %scan3A_28 = arith.constant 0 : i32
      %scan3A_29 = arith.constant 250 : i32
      %scan3A_30 = arith.addi %scan3A_28, %scan3A_29 : i32
      %scan3A_31 = arith.constant 1 : i32
      scf.for %scan3A_33 = %scan3A_28 to %scan3A_30 step %scan3A_31  : i32 {
        %mul3A_34 = arith.constant 20000 : i32
        %mul3A_35 = arith.muli %arg1, %mul3A_34 : i32
        %mul3A_36 = arith.constant 80 : i32
        %mul3A_37 = arith.muli %scan3A_33, %mul3A_36 : i32
        %add3A = arith.addi %mul3A_35, %mul3A_37 : i32
        %multiple_of3A_38 = tpu.assume_multiple %add3A, 8 : i32
        "tpu.region"() ({
          %run_scoped3A = tpu.sem_alloc : memref<!tpu.dma_semaphore, #tpu.memory_space<semaphore_mem>>
          %dma_start3A_43 = tpu.memref_slice %arg4[%multiple_of3A_38] : memref<320000xi32, #tpu.memory_space<hbm>> -> memref<80xi32, #tpu.memory_space<hbm>>
          %dma_start3A_44 = tpu.memref_slice %arg4[%multiple_of3A_38] : memref<320000xi32, #tpu.memory_space<hbm>> -> memref<80xi32, #tpu.memory_space<hbm>>
          tpu.enqueue_dma source(%dma_start3A_44 : memref<80xi32, #tpu.memory_space<hbm>>) target(%arg8 : memref<80xi32, #tpu.memory_space<vmem>>) target_semaphore(%run_scoped3A : memref<!tpu.dma_semaphore, #tpu.memory_space<semaphore_mem>>)
          %dma_wait3A_45 = tpu.memref_slice %arg4[%multiple_of3A_38] : memref<320000xi32, #tpu.memory_space<hbm>> -> memref<80xi32, #tpu.memory_space<hbm>>
          %dma_wait3A_46 = tpu.memref_slice %arg4[%multiple_of3A_38] : memref<320000xi32, #tpu.memory_space<hbm>> -> memref<80xi32, #tpu.memory_space<hbm>>
          tpu.wait_dma2 semaphore(%run_scoped3A : memref<!tpu.dma_semaphore, #tpu.memory_space<semaphore_mem>>) src(%dma_wait3A_46 : memref<80xi32, #tpu.memory_space<hbm>>) dst(%arg8 : memref<80xi32, #tpu.memory_space<vmem>>)
          tpu.yield
        }) : () -> ()
        %dma_start3A = arith.constant 0 : i32
        %dma_start3A_39 = arith.constant 0 : i32
        %dma_start3A_40 = tpu.memref_slice %arg2[%dma_start3A, %dma_start3A_39] : memref<10000x128xf32, #tpu.memory_space<hbm>> -> memref<10000x128xf32, #tpu.memory_space<hbm>>
        tpu.enqueue_indirect_dma source(%dma_start3A_40 : memref<10000x128xf32, #tpu.memory_space<hbm>>) target(%arg10 : memref<80x128xf32, #tpu.memory_space<vmem>>) offsets(%arg8 : memref<80xi32, #tpu.memory_space<vmem>>) semaphore(%arg12 : memref<!tpu.dma_semaphore, #tpu.memory_space<semaphore_mem>>)
        %dma_wait3A = arith.constant 0 : i32
        %dma_wait3A_41 = arith.constant 0 : i32
        %dma_wait3A_42 = tpu.memref_slice %arg2[%dma_wait3A, %dma_wait3A_41] : memref<10000x128xf32, #tpu.memory_space<hbm>> -> memref<10000x128xf32, #tpu.memory_space<hbm>>
        tpu.wait_indirect_dma semaphore(%arg12 : memref<!tpu.dma_semaphore, #tpu.memory_space<semaphore_mem>>) src(%dma_wait3A_42 : memref<10000x128xf32, #tpu.memory_space<hbm>>) dst(%arg10 : memref<80x128xf32, #tpu.memory_space<vmem>>)
        "tpu.region"() ({
          %run_scoped3A = tpu.sem_alloc : memref<!tpu.dma_semaphore, #tpu.memory_space<semaphore_mem>>
          %dma_start3A_43 = tpu.memref_slice %arg5[%multiple_of3A_38] : memref<320000xi32, #tpu.memory_space<hbm>> -> memref<80xi32, #tpu.memory_space<hbm>>
          %dma_start3A_44 = tpu.memref_slice %arg5[%multiple_of3A_38] : memref<320000xi32, #tpu.memory_space<hbm>> -> memref<80xi32, #tpu.memory_space<hbm>>
          tpu.enqueue_dma source(%dma_start3A_44 : memref<80xi32, #tpu.memory_space<hbm>>) target(%arg9 : memref<80xi32, #tpu.memory_space<vmem>>) target_semaphore(%run_scoped3A : memref<!tpu.dma_semaphore, #tpu.memory_space<semaphore_mem>>)
          %dma_wait3A_45 = tpu.memref_slice %arg5[%multiple_of3A_38] : memref<320000xi32, #tpu.memory_space<hbm>> -> memref<80xi32, #tpu.memory_space<hbm>>
          %dma_wait3A_46 = tpu.memref_slice %arg5[%multiple_of3A_38] : memref<320000xi32, #tpu.memory_space<hbm>> -> memref<80xi32, #tpu.memory_space<hbm>>
          tpu.wait_dma2 semaphore(%run_scoped3A : memref<!tpu.dma_semaphore, #tpu.memory_space<semaphore_mem>>) src(%dma_wait3A_46 : memref<80xi32, #tpu.memory_space<hbm>>) dst(%arg9 : memref<80xi32, #tpu.memory_space<vmem>>)
          tpu.yield
        }) : () -> ()
        "tpu.region"() ({
          %run_scoped3A = tpu.sem_alloc : memref<!tpu.dma_semaphore, #tpu.memory_space<semaphore_mem>>
          %dma_start3A_43 = arith.constant 0 : i32
          %dma_start3A_44 = arith.constant 0 : i32
          %dma_start3A_45 = tpu.memref_slice %arg11[%dma_start3A_43, %dma_start3A_44] : memref<10000x128xf32, #tpu.memory_space<vmem_shared>> -> memref<10000x128xf32, #tpu.memory_space<vmem_shared>>
          tpu.enqueue_indirect_dma source(%arg10 : memref<80x128xf32, #tpu.memory_space<vmem>>) target(%dma_start3A_45 : memref<10000x128xf32, #tpu.memory_space<vmem_shared>>) offsets(%arg9 : memref<80xi32, #tpu.memory_space<vmem>>) semaphore(%run_scoped3A : memref<!tpu.dma_semaphore, #tpu.memory_space<semaphore_mem>>) {add = true}
          %dma_wait3A_46 = arith.constant 0 : i32
          %dma_wait3A_47 = arith.constant 0 : i32
          %dma_wait3A_48 = tpu.memref_slice %arg11[%dma_wait3A_46, %dma_wait3A_47] : memref<10000x128xf32, #tpu.memory_space<vmem_shared>> -> memref<10000x128xf32, #tpu.memory_space<vmem_shared>>
          tpu.wait_indirect_dma semaphore(%run_scoped3A : memref<!tpu.dma_semaphore, #tpu.memory_space<semaphore_mem>>) src(%arg10 : memref<80x128xf32, #tpu.memory_space<vmem>>) dst(%dma_wait3A_48 : memref<10000x128xf32, #tpu.memory_space<vmem_shared>>)
          tpu.yield
        }) : () -> ()
      }
      %scan3A_32 = arith.constant 250 : i32
    } else {
    }
    %eq3A_12 = arith.constant 1 : i32
    %eq3A_13 = arith.cmpi eq, %arg0, %eq3A_12 : i32
    %convert_element_type3A_14 = arith.extui %eq3A_13 : i1 to i32
    %cond3A_15 = arith.constant 0 : i32
    %cond3A_16 = arith.cmpi ne, %convert_element_type3A_14, %cond3A_15 : i32
    scf.if %cond3A_16 {
      %scan3A = arith.constant 0 : i32
      %scan3A_28 = arith.constant 0 : i32
      %scan3A_29 = arith.constant 250 : i32
      %scan3A_30 = arith.addi %scan3A_28, %scan3A_29 : i32
      %scan3A_31 = arith.constant 1 : i32
      scf.for %scan3A_33 = %scan3A_28 to %scan3A_30 step %scan3A_31  : i32 {
        %mul3A_34 = arith.constant 20000 : i32
        %mul3A_35 = arith.muli %arg1, %mul3A_34 : i32
        %mul3A_36 = arith.constant 80 : i32
        %mul3A_37 = arith.muli %scan3A_33, %mul3A_36 : i32
        %add3A = arith.addi %mul3A_35, %mul3A_37 : i32
        %multiple_of3A_38 = tpu.assume_multiple %add3A, 8 : i32
        "tpu.region"() ({
          %run_scoped3A = tpu.sem_alloc : memref<!tpu.dma_semaphore, #tpu.memory_space<semaphore_mem>>
          %dma_start3A_43 = tpu.memref_slice %arg4[%multiple_of3A_38] : memref<320000xi32, #tpu.memory_space<hbm>> -> memref<80xi32, #tpu.memory_space<hbm>>
          %dma_start3A_44 = tpu.memref_slice %arg4[%multiple_of3A_38] : memref<320000xi32, #tpu.memory_space<hbm>> -> memref<80xi32, #tpu.memory_space<hbm>>
          tpu.enqueue_dma source(%dma_start3A_44 : memref<80xi32, #tpu.memory_space<hbm>>) target(%arg8 : memref<80xi32, #tpu.memory_space<vmem>>) target_semaphore(%run_scoped3A : memref<!tpu.dma_semaphore, #tpu.memory_space<semaphore_mem>>)
          %dma_wait3A_45 = tpu.memref_slice %arg4[%multiple_of3A_38] : memref<320000xi32, #tpu.memory_space<hbm>> -> memref<80xi32, #tpu.memory_space<hbm>>
          %dma_wait3A_46 = tpu.memref_slice %arg4[%multiple_of3A_38] : memref<320000xi32, #tpu.memory_space<hbm>> -> memref<80xi32, #tpu.memory_space<hbm>>
          tpu.wait_dma2 semaphore(%run_scoped3A : memref<!tpu.dma_semaphore, #tpu.memory_space<semaphore_mem>>) src(%dma_wait3A_46 : memref<80xi32, #tpu.memory_space<hbm>>) dst(%arg8 : memref<80xi32, #tpu.memory_space<vmem>>)
          tpu.yield
        }) : () -> ()
        %dma_start3A = arith.constant 0 : i32
        %dma_start3A_39 = arith.constant 0 : i32
        %dma_start3A_40 = tpu.memref_slice %arg3[%dma_start3A, %dma_start3A_39] : memref<10000x128xf32, #tpu.memory_space<hbm>> -> memref<10000x128xf32, #tpu.memory_space<hbm>>
        tpu.enqueue_indirect_dma source(%dma_start3A_40 : memref<10000x128xf32, #tpu.memory_space<hbm>>) target(%arg10 : memref<80x128xf32, #tpu.memory_space<vmem>>) offsets(%arg8 : memref<80xi32, #tpu.memory_space<vmem>>) semaphore(%arg12 : memref<!tpu.dma_semaphore, #tpu.memory_space<semaphore_mem>>)
        %dma_wait3A = arith.constant 0 : i32
        %dma_wait3A_41 = arith.constant 0 : i32
        %dma_wait3A_42 = tpu.memref_slice %arg3[%dma_wait3A, %dma_wait3A_41] : memref<10000x128xf32, #tpu.memory_space<hbm>> -> memref<10000x128xf32, #tpu.memory_space<hbm>>
        tpu.wait_indirect_dma semaphore(%arg12 : memref<!tpu.dma_semaphore, #tpu.memory_space<semaphore_mem>>) src(%dma_wait3A_42 : memref<10000x128xf32, #tpu.memory_space<hbm>>) dst(%arg10 : memref<80x128xf32, #tpu.memory_space<vmem>>)
        "tpu.region"() ({
          %run_scoped3A = tpu.sem_alloc : memref<!tpu.dma_semaphore, #tpu.memory_space<semaphore_mem>>
          %dma_start3A_43 = tpu.memref_slice %arg5[%multiple_of3A_38] : memref<320000xi32, #tpu.memory_space<hbm>> -> memref<80xi32, #tpu.memory_space<hbm>>
          %dma_start3A_44 = tpu.memref_slice %arg5[%multiple_of3A_38] : memref<320000xi32, #tpu.memory_space<hbm>> -> memref<80xi32, #tpu.memory_space<hbm>>
          tpu.enqueue_dma source(%dma_start3A_44 : memref<80xi32, #tpu.memory_space<hbm>>) target(%arg9 : memref<80xi32, #tpu.memory_space<vmem>>) target_semaphore(%run_scoped3A : memref<!tpu.dma_semaphore, #tpu.memory_space<semaphore_mem>>)
          %dma_wait3A_45 = tpu.memref_slice %arg5[%multiple_of3A_38] : memref<320000xi32, #tpu.memory_space<hbm>> -> memref<80xi32, #tpu.memory_space<hbm>>
          %dma_wait3A_46 = tpu.memref_slice %arg5[%multiple_of3A_38] : memref<320000xi32, #tpu.memory_space<hbm>> -> memref<80xi32, #tpu.memory_space<hbm>>
          tpu.wait_dma2 semaphore(%run_scoped3A : memref<!tpu.dma_semaphore, #tpu.memory_space<semaphore_mem>>) src(%dma_wait3A_46 : memref<80xi32, #tpu.memory_space<hbm>>) dst(%arg9 : memref<80xi32, #tpu.memory_space<vmem>>)
          tpu.yield
        }) : () -> ()
        "tpu.region"() ({
          %run_scoped3A = tpu.sem_alloc : memref<!tpu.dma_semaphore, #tpu.memory_space<semaphore_mem>>
          %dma_start3A_43 = arith.constant 0 : i32
          %dma_start3A_44 = arith.constant 0 : i32
          %dma_start3A_45 = tpu.memref_slice %arg11[%dma_start3A_43, %dma_start3A_44] : memref<10000x128xf32, #tpu.memory_space<vmem_shared>> -> memref<10000x128xf32, #tpu.memory_space<vmem_shared>>
          tpu.enqueue_indirect_dma source(%arg10 : memref<80x128xf32, #tpu.memory_space<vmem>>) target(%dma_start3A_45 : memref<10000x128xf32, #tpu.memory_space<vmem_shared>>) offsets(%arg9 : memref<80xi32, #tpu.memory_space<vmem>>) semaphore(%run_scoped3A : memref<!tpu.dma_semaphore, #tpu.memory_space<semaphore_mem>>) {add = true}
          %dma_wait3A_46 = arith.constant 0 : i32
          %dma_wait3A_47 = arith.constant 0 : i32
          %dma_wait3A_48 = tpu.memref_slice %arg11[%dma_wait3A_46, %dma_wait3A_47] : memref<10000x128xf32, #tpu.memory_space<vmem_shared>> -> memref<10000x128xf32, #tpu.memory_space<vmem_shared>>
          tpu.wait_indirect_dma semaphore(%run_scoped3A : memref<!tpu.dma_semaphore, #tpu.memory_space<semaphore_mem>>) src(%arg10 : memref<80x128xf32, #tpu.memory_space<vmem>>) dst(%dma_wait3A_48 : memref<10000x128xf32, #tpu.memory_space<vmem_shared>>)
          tpu.yield
        }) : () -> ()
      }
      %scan3A_32 = arith.constant 250 : i32
    } else {
    }
    %barrier3A_17 = arith.constant 0 : index
    tpu.barrier barrier_id(%barrier3A_17)
    %lt3A_18 = arith.constant 15 : i32
    %lt3A_19 = arith.cmpi slt, %arg1, %lt3A_18 : i32
    %convert_element_type3A_20 = arith.extui %lt3A_19 : i1 to i32
    %cond3A_21 = arith.constant 0 : i32
    %cond3A_22 = arith.cmpi ne, %convert_element_type3A_20, %cond3A_21 : i32
    scf.if %cond3A_22 {
      "tpu.region"() ({
        %run_scoped3A = tpu.sem_alloc : memref<!tpu.dma_semaphore, #tpu.memory_space<semaphore_mem>>
        %dma_start3A = arith.constant 0 : i32
        %dma_start3A_28 = tpu.memref_slice %arg7[%arg0, %multiple_of3A, %dma_start3A] : memref<2x10000x128xf32, #tpu.memory_space<hbm>> -> memref<1x624x128xf32, #tpu.memory_space<hbm>>
        %dma_start3A_29 = tpu.memref_squeeze %dma_start3A_28 : memref<1x624x128xf32, #tpu.memory_space<hbm>> -> memref<624x128xf32, #tpu.memory_space<hbm>>
        %dma_start3A_30 = arith.constant 0 : i32
        %dma_start3A_31 = tpu.memref_slice %arg11[%multiple_of3A, %dma_start3A_30] : memref<10000x128xf32, #tpu.memory_space<vmem_shared>> -> memref<624x128xf32, #tpu.memory_space<vmem_shared>>
        tpu.enqueue_dma source(%dma_start3A_31 : memref<624x128xf32, #tpu.memory_space<vmem_shared>>) target(%dma_start3A_29 : memref<624x128xf32, #tpu.memory_space<hbm>>) target_semaphore(%run_scoped3A : memref<!tpu.dma_semaphore, #tpu.memory_space<semaphore_mem>>)
        %dma_wait3A = arith.constant 0 : i32
        %dma_wait3A_32 = tpu.memref_slice %arg7[%arg0, %multiple_of3A, %dma_wait3A] : memref<2x10000x128xf32, #tpu.memory_space<hbm>> -> memref<1x624x128xf32, #tpu.memory_space<hbm>>
        %dma_wait3A_33 = tpu.memref_squeeze %dma_wait3A_32 : memref<1x624x128xf32, #tpu.memory_space<hbm>> -> memref<624x128xf32, #tpu.memory_space<hbm>>
        %dma_wait3A_34 = arith.constant 0 : i32
        %dma_wait3A_35 = tpu.memref_slice %arg11[%multiple_of3A, %dma_wait3A_34] : memref<10000x128xf32, #tpu.memory_space<vmem_shared>> -> memref<624x128xf32, #tpu.memory_space<vmem_shared>>
        tpu.wait_dma2 semaphore(%run_scoped3A : memref<!tpu.dma_semaphore, #tpu.memory_space<semaphore_mem>>) src(%dma_wait3A_35 : memref<624x128xf32, #tpu.memory_space<vmem_shared>>) dst(%dma_wait3A_33 : memref<624x128xf32, #tpu.memory_space<hbm>>)
        tpu.yield
      }) : () -> ()
    } else {
    }
    %eq3A_23 = arith.constant 15 : i32
    %eq3A_24 = arith.cmpi eq, %arg1, %eq3A_23 : i32
    %convert_element_type3A_25 = arith.extui %eq3A_24 : i1 to i32
    %cond3A_26 = arith.constant 0 : i32
    %cond3A_27 = arith.cmpi ne, %convert_element_type3A_25, %cond3A_26 : i32
    scf.if %cond3A_27 {
      "tpu.region"() ({
        %run_scoped3A = tpu.sem_alloc : memref<!tpu.dma_semaphore, #tpu.memory_space<semaphore_mem>>
        %dma_start3A = arith.constant 9360 : i32
        %dma_start3A_28 = arith.constant 0 : i32
        %dma_start3A_29 = tpu.memref_slice %arg7[%arg0, %dma_start3A, %dma_start3A_28] : memref<2x10000x128xf32, #tpu.memory_space<hbm>> -> memref<1x640x128xf32, #tpu.memory_space<hbm>>
        %dma_start3A_30 = tpu.memref_squeeze %dma_start3A_29 : memref<1x640x128xf32, #tpu.memory_space<hbm>> -> memref<640x128xf32, #tpu.memory_space<hbm>>
        %dma_start3A_31 = arith.constant 9360 : i32
        %dma_start3A_32 = arith.constant 0 : i32
        %dma_start3A_33 = tpu.memref_slice %arg11[%dma_start3A_31, %dma_start3A_32] : memref<10000x128xf32, #tpu.memory_space<vmem_shared>> -> memref<640x128xf32, #tpu.memory_space<vmem_shared>>
        tpu.enqueue_dma source(%dma_start3A_33 : memref<640x128xf32, #tpu.memory_space<vmem_shared>>) target(%dma_start3A_30 : memref<640x128xf32, #tpu.memory_space<hbm>>) target_semaphore(%run_scoped3A : memref<!tpu.dma_semaphore, #tpu.memory_space<semaphore_mem>>)
        %dma_wait3A = arith.constant 9360 : i32
        %dma_wait3A_34 = arith.constant 0 : i32
        %dma_wait3A_35 = tpu.memref_slice %arg7[%arg0, %dma_wait3A, %dma_wait3A_34] : memref<2x10000x128xf32, #tpu.memory_space<hbm>> -> memref<1x640x128xf32, #tpu.memory_space<hbm>>
        %dma_wait3A_36 = tpu.memref_squeeze %dma_wait3A_35 : memref<1x640x128xf32, #tpu.memory_space<hbm>> -> memref<640x128xf32, #tpu.memory_space<hbm>>
        %dma_wait3A_37 = arith.constant 9360 : i32
        %dma_wait3A_38 = arith.constant 0 : i32
        %dma_wait3A_39 = tpu.memref_slice %arg11[%dma_wait3A_37, %dma_wait3A_38] : memref<10000x128xf32, #tpu.memory_space<vmem_shared>> -> memref<640x128xf32, #tpu.memory_space<vmem_shared>>
        tpu.wait_dma2 semaphore(%run_scoped3A : memref<!tpu.dma_semaphore, #tpu.memory_space<semaphore_mem>>) src(%dma_wait3A_39 : memref<640x128xf32, #tpu.memory_space<vmem_shared>>) dst(%dma_wait3A_36 : memref<640x128xf32, #tpu.memory_space<hbm>>)
        tpu.yield
      }) : () -> ()
    } else {
    }
    return
  }
}

#map = affine_map<(d0, d1) -> (0, 0)>
#map1 = affine_map<(d0, d1) -> (0)>
#map2 = affine_map<(d0, d1) -> (0, 0, 0)>
module attributes {stable_mosaic.version = 14 : i64} {
  func.func @_sc_mp1(%arg0: i32, %arg1: i32, %arg2: memref<10000x128xf32, #tpu.memory_space<hbm>>, %arg3: memref<320000xi32, #tpu.memory_space<hbm>>, %arg4: memref<320000xi32, #tpu.memory_space<hbm>>, %arg5: memref<640x128xf32, #tpu.memory_space<hbm>>, %arg6: memref<2x10000x128xf32, #tpu.memory_space<hbm>>, %arg7: memref<80xi32, #tpu.memory_space<vmem>>, %arg8: memref<80xi32, #tpu.memory_space<vmem>>, %arg9: memref<80x128xf32, #tpu.memory_space<vmem>>, %arg10: memref<10000x128xf32, #tpu.memory_space<vmem_shared>>, %arg11: memref<!tpu.dma_semaphore, #tpu.memory_space<semaphore_mem>>) attributes {dimension_semantics = [#tpu.dimension_semantics<core_parallel>, #tpu.dimension_semantics<subcore_parallel>], iteration_bounds = array<i64: 2, 16>, scalar_prefetch = 0 : i64, scratch_operands = 5 : i64, tpu.core_type = #tpu.core_type<sc_vector_subcore>, window_params = [{transform_indices = #map}, {transform_indices = #map1}, {transform_indices = #map1}, {transform_indices = #map}, {transform_indices = #map2}]} {
    %mul3A = arith.constant 2 : i32
    %mul3A_0 = arith.muli %arg1, %mul3A : i32
    %add3A = arith.addi %mul3A_0, %arg0 : i32
    %mul3A_1 = arith.constant 624 : i32
    %mul3A_2 = arith.muli %arg1, %mul3A_1 : i32
    %multiple_of3A = tpu.assume_multiple %mul3A_2, 8 : i32
    %lt3A = arith.constant 15 : i32
    %lt3A_3 = arith.cmpi slt, %arg1, %lt3A : i32
    %convert_element_type3A = arith.extui %lt3A_3 : i1 to i32
    %cond3A = arith.constant 0 : i32
    %cond3A_4 = arith.cmpi ne, %convert_element_type3A, %cond3A : i32
    scf.if %cond3A_4 {
      "tpu.region"() ({
        %run_scoped3A = tpu.sem_alloc : memref<!tpu.dma_semaphore, #tpu.memory_space<semaphore_mem>>
        %dma_start3A = arith.constant 0 : i32
        %dma_start3A_25 = tpu.memref_slice %arg10[%multiple_of3A, %dma_start3A] : memref<10000x128xf32, #tpu.memory_space<vmem_shared>> -> memref<624x128xf32, #tpu.memory_space<vmem_shared>>
        %dma_start3A_26 = arith.constant 0 : i32
        %dma_start3A_27 = arith.constant 0 : i32
        %dma_start3A_28 = tpu.memref_slice %arg5[%dma_start3A_26, %dma_start3A_27] : memref<640x128xf32, #tpu.memory_space<hbm>> -> memref<624x128xf32, #tpu.memory_space<hbm>>
        tpu.enqueue_dma source(%dma_start3A_28 : memref<624x128xf32, #tpu.memory_space<hbm>>) target(%dma_start3A_25 : memref<624x128xf32, #tpu.memory_space<vmem_shared>>) target_semaphore(%run_scoped3A : memref<!tpu.dma_semaphore, #tpu.memory_space<semaphore_mem>>)
        %dma_wait3A = arith.constant 0 : i32
        %dma_wait3A_29 = tpu.memref_slice %arg10[%multiple_of3A, %dma_wait3A] : memref<10000x128xf32, #tpu.memory_space<vmem_shared>> -> memref<624x128xf32, #tpu.memory_space<vmem_shared>>
        %dma_wait3A_30 = arith.constant 0 : i32
        %dma_wait3A_31 = arith.constant 0 : i32
        %dma_wait3A_32 = tpu.memref_slice %arg5[%dma_wait3A_30, %dma_wait3A_31] : memref<640x128xf32, #tpu.memory_space<hbm>> -> memref<624x128xf32, #tpu.memory_space<hbm>>
        tpu.wait_dma2 semaphore(%run_scoped3A : memref<!tpu.dma_semaphore, #tpu.memory_space<semaphore_mem>>) src(%dma_wait3A_32 : memref<624x128xf32, #tpu.memory_space<hbm>>) dst(%dma_wait3A_29 : memref<624x128xf32, #tpu.memory_space<vmem_shared>>)
        tpu.yield
      }) : () -> ()
    } else {
    }
    %eq3A = arith.constant 15 : i32
    %eq3A_5 = arith.cmpi eq, %arg1, %eq3A : i32
    %convert_element_type3A_6 = arith.extui %eq3A_5 : i1 to i32
    %cond3A_7 = arith.constant 0 : i32
    %cond3A_8 = arith.cmpi ne, %convert_element_type3A_6, %cond3A_7 : i32
    scf.if %cond3A_8 {
      "tpu.region"() ({
        %run_scoped3A = tpu.sem_alloc : memref<!tpu.dma_semaphore, #tpu.memory_space<semaphore_mem>>
        %dma_start3A = arith.constant 9360 : i32
        %dma_start3A_25 = arith.constant 0 : i32
        %dma_start3A_26 = tpu.memref_slice %arg10[%dma_start3A, %dma_start3A_25] : memref<10000x128xf32, #tpu.memory_space<vmem_shared>> -> memref<640x128xf32, #tpu.memory_space<vmem_shared>>
        tpu.enqueue_dma source(%arg5 : memref<640x128xf32, #tpu.memory_space<hbm>>) target(%dma_start3A_26 : memref<640x128xf32, #tpu.memory_space<vmem_shared>>) target_semaphore(%run_scoped3A : memref<!tpu.dma_semaphore, #tpu.memory_space<semaphore_mem>>)
        %dma_wait3A = arith.constant 9360 : i32
        %dma_wait3A_27 = arith.constant 0 : i32
        %dma_wait3A_28 = tpu.memref_slice %arg10[%dma_wait3A, %dma_wait3A_27] : memref<10000x128xf32, #tpu.memory_space<vmem_shared>> -> memref<640x128xf32, #tpu.memory_space<vmem_shared>>
        tpu.wait_dma2 semaphore(%run_scoped3A : memref<!tpu.dma_semaphore, #tpu.memory_space<semaphore_mem>>) src(%arg5 : memref<640x128xf32, #tpu.memory_space<hbm>>) dst(%dma_wait3A_28 : memref<640x128xf32, #tpu.memory_space<vmem_shared>>)
        tpu.yield
      }) : () -> ()
    } else {
    }
    %barrier3A = arith.constant 0 : index
    tpu.barrier barrier_id(%barrier3A)
    %scan3A = arith.constant 0 : i32
    %scan3A_9 = arith.constant 0 : i32
    %scan3A_10 = arith.constant 125 : i32
    %scan3A_11 = arith.addi %scan3A_9, %scan3A_10 : i32
    %scan3A_12 = arith.constant 1 : i32
    scf.for %scan3A_25 = %scan3A_9 to %scan3A_11 step %scan3A_12  : i32 {
      %mul3A_26 = arith.constant 10000 : i32
      %mul3A_27 = arith.muli %add3A, %mul3A_26 : i32
      %mul3A_28 = arith.constant 80 : i32
      %mul3A_29 = arith.muli %scan3A_25, %mul3A_28 : i32
      %add3A_30 = arith.addi %mul3A_27, %mul3A_29 : i32
      %multiple_of3A_31 = tpu.assume_multiple %add3A_30, 8 : i32
      "tpu.region"() ({
        %run_scoped3A = tpu.sem_alloc : memref<!tpu.dma_semaphore, #tpu.memory_space<semaphore_mem>>
        %dma_start3A_36 = tpu.memref_slice %arg3[%multiple_of3A_31] : memref<320000xi32, #tpu.memory_space<hbm>> -> memref<80xi32, #tpu.memory_space<hbm>>
        %dma_start3A_37 = tpu.memref_slice %arg3[%multiple_of3A_31] : memref<320000xi32, #tpu.memory_space<hbm>> -> memref<80xi32, #tpu.memory_space<hbm>>
        tpu.enqueue_dma source(%dma_start3A_37 : memref<80xi32, #tpu.memory_space<hbm>>) target(%arg7 : memref<80xi32, #tpu.memory_space<vmem>>) target_semaphore(%run_scoped3A : memref<!tpu.dma_semaphore, #tpu.memory_space<semaphore_mem>>)
        %dma_wait3A_38 = tpu.memref_slice %arg3[%multiple_of3A_31] : memref<320000xi32, #tpu.memory_space<hbm>> -> memref<80xi32, #tpu.memory_space<hbm>>
        %dma_wait3A_39 = tpu.memref_slice %arg3[%multiple_of3A_31] : memref<320000xi32, #tpu.memory_space<hbm>> -> memref<80xi32, #tpu.memory_space<hbm>>
        tpu.wait_dma2 semaphore(%run_scoped3A : memref<!tpu.dma_semaphore, #tpu.memory_space<semaphore_mem>>) src(%dma_wait3A_39 : memref<80xi32, #tpu.memory_space<hbm>>) dst(%arg7 : memref<80xi32, #tpu.memory_space<vmem>>)
        tpu.yield
      }) : () -> ()
      %dma_start3A = arith.constant 0 : i32
      %dma_start3A_32 = arith.constant 0 : i32
      %dma_start3A_33 = tpu.memref_slice %arg2[%dma_start3A, %dma_start3A_32] : memref<10000x128xf32, #tpu.memory_space<hbm>> -> memref<10000x128xf32, #tpu.memory_space<hbm>>
      tpu.enqueue_indirect_dma source(%dma_start3A_33 : memref<10000x128xf32, #tpu.memory_space<hbm>>) target(%arg9 : memref<80x128xf32, #tpu.memory_space<vmem>>) offsets(%arg7 : memref<80xi32, #tpu.memory_space<vmem>>) semaphore(%arg11 : memref<!tpu.dma_semaphore, #tpu.memory_space<semaphore_mem>>)
      %dma_wait3A = arith.constant 0 : i32
      %dma_wait3A_34 = arith.constant 0 : i32
      %dma_wait3A_35 = tpu.memref_slice %arg2[%dma_wait3A, %dma_wait3A_34] : memref<10000x128xf32, #tpu.memory_space<hbm>> -> memref<10000x128xf32, #tpu.memory_space<hbm>>
      tpu.wait_indirect_dma semaphore(%arg11 : memref<!tpu.dma_semaphore, #tpu.memory_space<semaphore_mem>>) src(%dma_wait3A_35 : memref<10000x128xf32, #tpu.memory_space<hbm>>) dst(%arg9 : memref<80x128xf32, #tpu.memory_space<vmem>>)
      "tpu.region"() ({
        %run_scoped3A = tpu.sem_alloc : memref<!tpu.dma_semaphore, #tpu.memory_space<semaphore_mem>>
        %dma_start3A_36 = tpu.memref_slice %arg4[%multiple_of3A_31] : memref<320000xi32, #tpu.memory_space<hbm>> -> memref<80xi32, #tpu.memory_space<hbm>>
        %dma_start3A_37 = tpu.memref_slice %arg4[%multiple_of3A_31] : memref<320000xi32, #tpu.memory_space<hbm>> -> memref<80xi32, #tpu.memory_space<hbm>>
        tpu.enqueue_dma source(%dma_start3A_37 : memref<80xi32, #tpu.memory_space<hbm>>) target(%arg8 : memref<80xi32, #tpu.memory_space<vmem>>) target_semaphore(%run_scoped3A : memref<!tpu.dma_semaphore, #tpu.memory_space<semaphore_mem>>)
        %dma_wait3A_38 = tpu.memref_slice %arg4[%multiple_of3A_31] : memref<320000xi32, #tpu.memory_space<hbm>> -> memref<80xi32, #tpu.memory_space<hbm>>
        %dma_wait3A_39 = tpu.memref_slice %arg4[%multiple_of3A_31] : memref<320000xi32, #tpu.memory_space<hbm>> -> memref<80xi32, #tpu.memory_space<hbm>>
        tpu.wait_dma2 semaphore(%run_scoped3A : memref<!tpu.dma_semaphore, #tpu.memory_space<semaphore_mem>>) src(%dma_wait3A_39 : memref<80xi32, #tpu.memory_space<hbm>>) dst(%arg8 : memref<80xi32, #tpu.memory_space<vmem>>)
        tpu.yield
      }) : () -> ()
      "tpu.region"() ({
        %run_scoped3A = tpu.sem_alloc : memref<!tpu.dma_semaphore, #tpu.memory_space<semaphore_mem>>
        %dma_start3A_36 = arith.constant 0 : i32
        %dma_start3A_37 = arith.constant 0 : i32
        %dma_start3A_38 = tpu.memref_slice %arg10[%dma_start3A_36, %dma_start3A_37] : memref<10000x128xf32, #tpu.memory_space<vmem_shared>> -> memref<10000x128xf32, #tpu.memory_space<vmem_shared>>
        tpu.enqueue_indirect_dma source(%arg9 : memref<80x128xf32, #tpu.memory_space<vmem>>) target(%dma_start3A_38 : memref<10000x128xf32, #tpu.memory_space<vmem_shared>>) offsets(%arg8 : memref<80xi32, #tpu.memory_space<vmem>>) semaphore(%run_scoped3A : memref<!tpu.dma_semaphore, #tpu.memory_space<semaphore_mem>>) {add = true}
        %dma_wait3A_39 = arith.constant 0 : i32
        %dma_wait3A_40 = arith.constant 0 : i32
        %dma_wait3A_41 = tpu.memref_slice %arg10[%dma_wait3A_39, %dma_wait3A_40] : memref<10000x128xf32, #tpu.memory_space<vmem_shared>> -> memref<10000x128xf32, #tpu.memory_space<vmem_shared>>
        tpu.wait_indirect_dma semaphore(%run_scoped3A : memref<!tpu.dma_semaphore, #tpu.memory_space<semaphore_mem>>) src(%arg9 : memref<80x128xf32, #tpu.memory_space<vmem>>) dst(%dma_wait3A_41 : memref<10000x128xf32, #tpu.memory_space<vmem_shared>>)
        tpu.yield
      }) : () -> ()
    }
    %scan3A_13 = arith.constant 125 : i32
    %barrier3A_14 = arith.constant 0 : index
    tpu.barrier barrier_id(%barrier3A_14)
    %lt3A_15 = arith.constant 15 : i32
    %lt3A_16 = arith.cmpi slt, %arg1, %lt3A_15 : i32
    %convert_element_type3A_17 = arith.extui %lt3A_16 : i1 to i32
    %cond3A_18 = arith.constant 0 : i32
    %cond3A_19 = arith.cmpi ne, %convert_element_type3A_17, %cond3A_18 : i32
    scf.if %cond3A_19 {
      "tpu.region"() ({
        %run_scoped3A = tpu.sem_alloc : memref<!tpu.dma_semaphore, #tpu.memory_space<semaphore_mem>>
        %dma_start3A = arith.constant 0 : i32
        %dma_start3A_25 = tpu.memref_slice %arg6[%arg0, %multiple_of3A, %dma_start3A] : memref<2x10000x128xf32, #tpu.memory_space<hbm>> -> memref<1x624x128xf32, #tpu.memory_space<hbm>>
        %dma_start3A_26 = tpu.memref_squeeze %dma_start3A_25 : memref<1x624x128xf32, #tpu.memory_space<hbm>> -> memref<624x128xf32, #tpu.memory_space<hbm>>
        %dma_start3A_27 = arith.constant 0 : i32
        %dma_start3A_28 = tpu.memref_slice %arg10[%multiple_of3A, %dma_start3A_27] : memref<10000x128xf32, #tpu.memory_space<vmem_shared>> -> memref<624x128xf32, #tpu.memory_space<vmem_shared>>
        tpu.enqueue_dma source(%dma_start3A_28 : memref<624x128xf32, #tpu.memory_space<vmem_shared>>) target(%dma_start3A_26 : memref<624x128xf32, #tpu.memory_space<hbm>>) target_semaphore(%run_scoped3A : memref<!tpu.dma_semaphore, #tpu.memory_space<semaphore_mem>>)
        %dma_wait3A = arith.constant 0 : i32
        %dma_wait3A_29 = tpu.memref_slice %arg6[%arg0, %multiple_of3A, %dma_wait3A] : memref<2x10000x128xf32, #tpu.memory_space<hbm>> -> memref<1x624x128xf32, #tpu.memory_space<hbm>>
        %dma_wait3A_30 = tpu.memref_squeeze %dma_wait3A_29 : memref<1x624x128xf32, #tpu.memory_space<hbm>> -> memref<624x128xf32, #tpu.memory_space<hbm>>
        %dma_wait3A_31 = arith.constant 0 : i32
        %dma_wait3A_32 = tpu.memref_slice %arg10[%multiple_of3A, %dma_wait3A_31] : memref<10000x128xf32, #tpu.memory_space<vmem_shared>> -> memref<624x128xf32, #tpu.memory_space<vmem_shared>>
        tpu.wait_dma2 semaphore(%run_scoped3A : memref<!tpu.dma_semaphore, #tpu.memory_space<semaphore_mem>>) src(%dma_wait3A_32 : memref<624x128xf32, #tpu.memory_space<vmem_shared>>) dst(%dma_wait3A_30 : memref<624x128xf32, #tpu.memory_space<hbm>>)
        tpu.yield
      }) : () -> ()
    } else {
    }
    %eq3A_20 = arith.constant 15 : i32
    %eq3A_21 = arith.cmpi eq, %arg1, %eq3A_20 : i32
    %convert_element_type3A_22 = arith.extui %eq3A_21 : i1 to i32
    %cond3A_23 = arith.constant 0 : i32
    %cond3A_24 = arith.cmpi ne, %convert_element_type3A_22, %cond3A_23 : i32
    scf.if %cond3A_24 {
      "tpu.region"() ({
        %run_scoped3A = tpu.sem_alloc : memref<!tpu.dma_semaphore, #tpu.memory_space<semaphore_mem>>
        %dma_start3A = arith.constant 9360 : i32
        %dma_start3A_25 = arith.constant 0 : i32
        %dma_start3A_26 = tpu.memref_slice %arg6[%arg0, %dma_start3A, %dma_start3A_25] : memref<2x10000x128xf32, #tpu.memory_space<hbm>> -> memref<1x640x128xf32, #tpu.memory_space<hbm>>
        %dma_start3A_27 = tpu.memref_squeeze %dma_start3A_26 : memref<1x640x128xf32, #tpu.memory_space<hbm>> -> memref<640x128xf32, #tpu.memory_space<hbm>>
        %dma_start3A_28 = arith.constant 9360 : i32
        %dma_start3A_29 = arith.constant 0 : i32
        %dma_start3A_30 = tpu.memref_slice %arg10[%dma_start3A_28, %dma_start3A_29] : memref<10000x128xf32, #tpu.memory_space<vmem_shared>> -> memref<640x128xf32, #tpu.memory_space<vmem_shared>>
        tpu.enqueue_dma source(%dma_start3A_30 : memref<640x128xf32, #tpu.memory_space<vmem_shared>>) target(%dma_start3A_27 : memref<640x128xf32, #tpu.memory_space<hbm>>) target_semaphore(%run_scoped3A : memref<!tpu.dma_semaphore, #tpu.memory_space<semaphore_mem>>)
        %dma_wait3A = arith.constant 9360 : i32
        %dma_wait3A_31 = arith.constant 0 : i32
        %dma_wait3A_32 = tpu.memref_slice %arg6[%arg0, %dma_wait3A, %dma_wait3A_31] : memref<2x10000x128xf32, #tpu.memory_space<hbm>> -> memref<1x640x128xf32, #tpu.memory_space<hbm>>
        %dma_wait3A_33 = tpu.memref_squeeze %dma_wait3A_32 : memref<1x640x128xf32, #tpu.memory_space<hbm>> -> memref<640x128xf32, #tpu.memory_space<hbm>>
        %dma_wait3A_34 = arith.constant 9360 : i32
        %dma_wait3A_35 = arith.constant 0 : i32
        %dma_wait3A_36 = tpu.memref_slice %arg10[%dma_wait3A_34, %dma_wait3A_35] : memref<10000x128xf32, #tpu.memory_space<vmem_shared>> -> memref<640x128xf32, #tpu.memory_space<vmem_shared>>
        tpu.wait_dma2 semaphore(%run_scoped3A : memref<!tpu.dma_semaphore, #tpu.memory_space<semaphore_mem>>) src(%dma_wait3A_36 : memref<640x128xf32, #tpu.memory_space<vmem_shared>>) dst(%dma_wait3A_33 : memref<640x128xf32, #tpu.memory_space<hbm>>)
        tpu.yield
      }) : () -> ()
    } else {
    }
    return
  }
}

module attributes {stable_mosaic.version = 14 : i64} {
  func.func @_tc_prep_body(%arg0: i32, %arg1: memref<1000x2xf32, #tpu.memory_space<vmem>>, %arg2: memref<1000x128xf32, #tpu.memory_space<vmem>>, %arg3: memref<1000x1xf32, #tpu.memory_space<vmem>>, %arg4: memref<1000x128xf32, #tpu.memory_space<vmem>>) attributes {dimension_semantics = [#tpu.dimension_semantics<arbitrary>], iteration_bounds = array<i64: 10>, scalar_prefetch = 0 : i64, scratch_operands = 0 : i64, tpu.core_type = #tpu.core_type<tc>, window_params = [{transform_indices = @transform_0, window_bounds = array<i64: 1000, 2>}, {transform_indices = @transform_1, window_bounds = array<i64: 1000, 128>}, {transform_indices = @transform_2, window_bounds = array<i64: 1000, 1>}, {transform_indices = @transform_3, window_bounds = array<i64: 1000, 128>}]} {
    %get3A = arith.constant 0 : index
    %get3A_0 = arith.constant 0 : index
    %get3A_1 = vector.load %arg1[%get3A, %get3A_0] : memref<1000x2xf32, #tpu.memory_space<vmem>>, vector<1000x2xf32>
    %slice3A = vector.extract_strided_slice %get3A_1 {offsets = [0, 0], sizes = [1000, 1], strides = [1, 1]} : vector<1000x2xf32> to vector<1000x1xf32>
    %slice3A_2 = vector.extract_strided_slice %get3A_1 {offsets = [0, 1], sizes = [1000, 1], strides = [1, 1]} : vector<1000x2xf32> to vector<1000x1xf32>
    %add3A = arith.addf %slice3A, %slice3A_2 : vector<1000x1xf32>
    %gt3A = arith.constant 0.000000e+00 : f32
    %gt3A_3 = vector.broadcast %gt3A : f32 to vector<1000x1xf32>
    %gt3A_4 = arith.cmpf ogt, %add3A, %gt3A_3 : vector<1000x1xf32>
    %rsqrt3A = math.rsqrt %add3A : vector<1000x1xf32>
    %jit3A = arith.constant 0.000000e+00 : f32
    %broadcast_in_dim3A = vector.broadcast %jit3A : f32 to vector<1000x1xf32>
    %select_n3A = arith.select %gt3A_4, %rsqrt3A, %broadcast_in_dim3A : vector<1000x1xi1>, vector<1000x1xf32>
    %swap3A = arith.constant 0 : index
    %swap3A_5 = arith.constant 0 : index
    %swap3A_6 = vector.load %arg3[%swap3A, %swap3A_5] : memref<1000x1xf32, #tpu.memory_space<vmem>>, vector<1000x1xf32>
    tpu.vector_store %arg3[%swap3A, %swap3A_5], %select_n3A {strides = array<i32>} : memref<1000x1xf32, #tpu.memory_space<vmem>>, vector<1000x1xf32>,
    %get3A_7 = arith.constant 0 : index
    %get3A_8 = arith.constant 0 : index
    %get3A_9 = vector.load %arg2[%get3A_7, %get3A_8] : memref<1000x128xf32, #tpu.memory_space<vmem>>, vector<1000x128xf32>
    %mul3A = vector.broadcast %select_n3A : vector<1000x1xf32> to vector<1000x128xf32>
    %mul3A_10 = arith.mulf %get3A_9, %mul3A : vector<1000x128xf32>
    %swap3A_11 = arith.constant 0 : index
    %swap3A_12 = arith.constant 0 : index
    %swap3A_13 = vector.load %arg4[%swap3A_11, %swap3A_12] : memref<1000x128xf32, #tpu.memory_space<vmem>>, vector<1000x128xf32>
    tpu.vector_store %arg4[%swap3A_11, %swap3A_12], %mul3A_10 {strides = array<i32>} : memref<1000x128xf32, #tpu.memory_space<vmem>>, vector<1000x128xf32>,
    return
  }
  func.func @transform_0(%arg0: i32) -> (i32, i32) {
    %c0_i32 = arith.constant 0 : i32
    %c0_i32_0 = arith.constant 0 : i32
    return %arg0, %c0_i32 : i32, i32
  }
  func.func @transform_1(%arg0: i32) -> (i32, i32) {
    %c0_i32 = arith.constant 0 : i32
    %c0_i32_0 = arith.constant 0 : i32
    return %arg0, %c0_i32 : i32, i32
  }
  func.func @transform_2(%arg0: i32) -> (i32, i32) {
    %c0_i32 = arith.constant 0 : i32
    %c0_i32_0 = arith.constant 0 : i32
    return %arg0, %c0_i32 : i32, i32
  }
  func.func @transform_3(%arg0: i32) -> (i32, i32) {
    %c0_i32 = arith.constant 0 : i32
    %c0_i32_0 = arith.constant 0 : i32
    return %arg0, %c0_i32 : i32, i32
  }
}

module attributes {stable_mosaic.version = 14 : i64} {
  func.func @_tc_mid_body(%arg0: i32, %arg1: memref<2x1000x128xf32, #tpu.memory_space<vmem>>, %arg2: memref<1000x1xf32, #tpu.memory_space<vmem>>, %arg3: memref<128x128xf32, #tpu.memory_space<vmem>>, %arg4: memref<1x128xf32, #tpu.memory_space<vmem>>, %arg5: memref<128x128xf32, #tpu.memory_space<vmem>>, %arg6: memref<1x128xf32, #tpu.memory_space<vmem>>, %arg7: memref<1000x128xf32, #tpu.memory_space<vmem>>, %arg8: memref<1000x128xf32, #tpu.memory_space<vmem>>, %arg9: memref<2x1000x128xf32, #tpu.memory_space<vmem>>) attributes {dimension_semantics = [#tpu.dimension_semantics<arbitrary>], iteration_bounds = array<i64: 10>, scalar_prefetch = 0 : i64, scratch_operands = 0 : i64, tpu.core_type = #tpu.core_type<tc>, window_params = [{transform_indices = @transform_0, window_bounds = array<i64: 2, 1000, 128>}, {transform_indices = @transform_1, window_bounds = array<i64: 1000, 1>}, {pipeline_mode = #tpu.pipeline_mode<synchronous>, transform_indices = @transform_2, window_bounds = array<i64: 128, 128>}, {pipeline_mode = #tpu.pipeline_mode<synchronous>, transform_indices = @transform_3, window_bounds = array<i64: 1, 128>}, {pipeline_mode = #tpu.pipeline_mode<synchronous>, transform_indices = @transform_4, window_bounds = array<i64: 128, 128>}, {pipeline_mode = #tpu.pipeline_mode<synchronous>, transform_indices = @transform_5, window_bounds = array<i64: 1, 128>}, {transform_indices = @transform_6, window_bounds = array<i64: 1000, 128>}, {transform_indices = @transform_7, window_bounds = array<i64: 1000, 128>}, {transform_indices = @transform_8, window_bounds = array<i64: 2, 1000, 128>}]} {
    %get3A = arith.constant 0 : index
    %get3A_0 = arith.constant 0 : index
    %get3A_1 = vector.load %arg2[%get3A, %get3A_0] : memref<1000x1xf32, #tpu.memory_space<vmem>>, vector<1000x1xf32>
    %get3A_2 = arith.constant 0 : index
    %get3A_3 = arith.constant 0 : index
    %get3A_4 = arith.constant 0 : index
    %get3A_5 = vector.load %arg1[%get3A_2, %get3A_3, %get3A_4] : memref<2x1000x128xf32, #tpu.memory_space<vmem>>, vector<1x1000x128xf32>
    %get3A_6 = vector.shape_cast %get3A_5 : vector<1x1000x128xf32> to vector<1000x128xf32>
    %get3A_7 = arith.constant 1 : index
    %get3A_8 = arith.constant 0 : index
    %get3A_9 = arith.constant 0 : index
    %get3A_10 = vector.load %arg1[%get3A_7, %get3A_8, %get3A_9] : memref<2x1000x128xf32, #tpu.memory_space<vmem>>, vector<1x1000x128xf32>
    %get3A_11 = vector.shape_cast %get3A_10 : vector<1x1000x128xf32> to vector<1000x128xf32>
    %add3A = arith.addf %get3A_6, %get3A_11 : vector<1000x128xf32>
    %mul3A = vector.broadcast %get3A_1 : vector<1000x1xf32> to vector<1000x128xf32>
    %mul3A_12 = arith.mulf %add3A, %mul3A : vector<1000x128xf32>
    %get3A_13 = arith.constant 0 : index
    %get3A_14 = arith.constant 0 : index
    %get3A_15 = vector.load %arg3[%get3A_13, %get3A_14] : memref<128x128xf32, #tpu.memory_space<vmem>>, vector<128x128xf32>
    %dot_general3A = arith.constant dense<0.000000e+00> : vector<1000x128xf32>
    %dot_general3A_16 = tpu.matmul %mul3A_12, %get3A_15, %dot_general3A {dimension_numbers = #tpu.dot_dimension_numbers<[1], [0], [0], [1], [0, 0, 1, 1], [], []>, precision = #tpu.contract_precision<fp32>, transpose_lhs_hint = false} : vector<1000x128xf32>, vector<128x128xf32>, vector<1000x128xf32> -> vector<1000x128xf32>
    %get3A_17 = arith.constant 0 : index
    %get3A_18 = arith.constant 0 : index
    %get3A_19 = vector.load %arg4[%get3A_17, %get3A_18] : memref<1x128xf32, #tpu.memory_space<vmem>>, vector<1x128xf32>
    %add3A_20 = vector.broadcast %get3A_19 : vector<1x128xf32> to vector<1000x128xf32>
    %add3A_21 = arith.addf %dot_general3A_16, %add3A_20 : vector<1000x128xf32>
    %tanh3A = math.tanh %add3A_21 : vector<1000x128xf32>
    %get3A_22 = arith.constant 0 : index
    %get3A_23 = arith.constant 0 : index
    %get3A_24 = vector.load %arg5[%get3A_22, %get3A_23] : memref<128x128xf32, #tpu.memory_space<vmem>>, vector<128x128xf32>
    %dot_general3A_25 = arith.constant dense<0.000000e+00> : vector<1000x128xf32>
    %dot_general3A_26 = tpu.matmul %mul3A_12, %get3A_24, %dot_general3A_25 {dimension_numbers = #tpu.dot_dimension_numbers<[1], [0], [0], [1], [0, 0, 1, 1], [], []>, precision = #tpu.contract_precision<fp32>, transpose_lhs_hint = false} : vector<1000x128xf32>, vector<128x128xf32>, vector<1000x128xf32> -> vector<1000x128xf32>
    %get3A_27 = arith.constant 0 : index
    %get3A_28 = arith.constant 0 : index
    %get3A_29 = vector.load %arg6[%get3A_27, %get3A_28] : memref<1x128xf32, #tpu.memory_space<vmem>>, vector<1x128xf32>
    %add3A_30 = vector.broadcast %get3A_29 : vector<1x128xf32> to vector<1000x128xf32>
    %add3A_31 = arith.addf %dot_general3A_26, %add3A_30 : vector<1000x128xf32>
    %tanh3A_32 = math.tanh %add3A_31 : vector<1000x128xf32>
    %swap3A = arith.constant 0 : index
    %swap3A_33 = arith.constant 0 : index
    %swap3A_34 = vector.load %arg7[%swap3A, %swap3A_33] : memref<1000x128xf32, #tpu.memory_space<vmem>>, vector<1000x128xf32>
    tpu.vector_store %arg7[%swap3A, %swap3A_33], %tanh3A {strides = array<i32>} : memref<1000x128xf32, #tpu.memory_space<vmem>>, vector<1000x128xf32>,
    %swap3A_35 = arith.constant 0 : index
    %swap3A_36 = arith.constant 0 : index
    %swap3A_37 = vector.load %arg8[%swap3A_35, %swap3A_36] : memref<1000x128xf32, #tpu.memory_space<vmem>>, vector<1000x128xf32>
    tpu.vector_store %arg8[%swap3A_35, %swap3A_36], %tanh3A_32 {strides = array<i32>} : memref<1000x128xf32, #tpu.memory_space<vmem>>, vector<1000x128xf32>,
    %mul3A_38 = vector.broadcast %get3A_1 : vector<1000x1xf32> to vector<1000x128xf32>
    %mul3A_39 = arith.mulf %tanh3A, %mul3A_38 : vector<1000x128xf32>
    %swap3A_40 = arith.constant 0 : index
    %swap3A_41 = arith.constant 0 : index
    %swap3A_42 = arith.constant 0 : index
    %swap3A_43 = vector.load %arg9[%swap3A_40, %swap3A_41, %swap3A_42] : memref<2x1000x128xf32, #tpu.memory_space<vmem>>, vector<1x1000x128xf32>
    %swap3A_44 = vector.shape_cast %swap3A_43 : vector<1x1000x128xf32> to vector<1000x128xf32>
    %swap3A_45 = vector.shape_cast %mul3A_39 : vector<1000x128xf32> to vector<1x1000x128xf32>
    tpu.vector_store %arg9[%swap3A_40, %swap3A_41, %swap3A_42], %swap3A_45 {strides = array<i32>} : memref<2x1000x128xf32, #tpu.memory_space<vmem>>, vector<1x1000x128xf32>,
    %mul3A_46 = vector.broadcast %get3A_1 : vector<1000x1xf32> to vector<1000x128xf32>
    %mul3A_47 = arith.mulf %tanh3A_32, %mul3A_46 : vector<1000x128xf32>
    %swap3A_48 = arith.constant 1 : index
    %swap3A_49 = arith.constant 0 : index
    %swap3A_50 = arith.constant 0 : index
    %swap3A_51 = vector.load %arg9[%swap3A_48, %swap3A_49, %swap3A_50] : memref<2x1000x128xf32, #tpu.memory_space<vmem>>, vector<1x1000x128xf32>
    %swap3A_52 = vector.shape_cast %swap3A_51 : vector<1x1000x128xf32> to vector<1000x128xf32>
    %swap3A_53 = vector.shape_cast %mul3A_47 : vector<1000x128xf32> to vector<1x1000x128xf32>
    tpu.vector_store %arg9[%swap3A_48, %swap3A_49, %swap3A_50], %swap3A_53 {strides = array<i32>} : memref<2x1000x128xf32, #tpu.memory_space<vmem>>, vector<1x1000x128xf32>,
    return
  }
  func.func @transform_0(%arg0: i32) -> (i32, i32, i32) {
    %c0_i32 = arith.constant 0 : i32
    %c0_i32_0 = arith.constant 0 : i32
    %c0_i32_1 = arith.constant 0 : i32
    return %c0_i32, %arg0, %c0_i32_0 : i32, i32, i32
  }
  func.func @transform_1(%arg0: i32) -> (i32, i32) {
    %c0_i32 = arith.constant 0 : i32
    %c0_i32_0 = arith.constant 0 : i32
    return %arg0, %c0_i32 : i32, i32
  }
  func.func @transform_2(%arg0: i32) -> (i32, i32) {
    %c0_i32 = arith.constant 0 : i32
    %c0_i32_0 = arith.constant 0 : i32
    %c0_i32_1 = arith.constant 0 : i32
    return %c0_i32, %c0_i32_0 : i32, i32
  }
  func.func @transform_3(%arg0: i32) -> (i32, i32) {
    %c0_i32 = arith.constant 0 : i32
    %c0_i32_0 = arith.constant 0 : i32
    %c0_i32_1 = arith.constant 0 : i32
    return %c0_i32, %c0_i32_0 : i32, i32
  }
  func.func @transform_4(%arg0: i32) -> (i32, i32) {
    %c0_i32 = arith.constant 0 : i32
    %c0_i32_0 = arith.constant 0 : i32
    %c0_i32_1 = arith.constant 0 : i32
    return %c0_i32, %c0_i32_0 : i32, i32
  }
  func.func @transform_5(%arg0: i32) -> (i32, i32) {
    %c0_i32 = arith.constant 0 : i32
    %c0_i32_0 = arith.constant 0 : i32
    %c0_i32_1 = arith.constant 0 : i32
    return %c0_i32, %c0_i32_0 : i32, i32
  }
  func.func @transform_6(%arg0: i32) -> (i32, i32) {
    %c0_i32 = arith.constant 0 : i32
    %c0_i32_0 = arith.constant 0 : i32
    return %arg0, %c0_i32 : i32, i32
  }
  func.func @transform_7(%arg0: i32) -> (i32, i32) {
    %c0_i32 = arith.constant 0 : i32
    %c0_i32_0 = arith.constant 0 : i32
    return %arg0, %c0_i32 : i32, i32
  }
  func.func @transform_8(%arg0: i32) -> (i32, i32, i32) {
    %c0_i32 = arith.constant 0 : i32
    %c0_i32_0 = arith.constant 0 : i32
    %c0_i32_1 = arith.constant 0 : i32
    return %c0_i32, %arg0, %c0_i32_0 : i32, i32, i32
  }
}

module attributes {stable_mosaic.version = 14 : i64} {
  func.func @_tc_fin_body(%arg0: i32, %arg1: memref<2x1000x128xf32, #tpu.memory_space<vmem>>, %arg2: memref<1000x1xf32, #tpu.memory_space<vmem>>, %arg3: memref<1000x128xf32, #tpu.memory_space<vmem>>, %arg4: memref<1000x128xf32, #tpu.memory_space<vmem>>, %arg5: memref<128x128xf32, #tpu.memory_space<vmem>>, %arg6: memref<1x128xf32, #tpu.memory_space<vmem>>, %arg7: memref<128x128xf32, #tpu.memory_space<vmem>>, %arg8: memref<1x128xf32, #tpu.memory_space<vmem>>, %arg9: memref<128x128xf32, #tpu.memory_space<vmem>>, %arg10: memref<1x128xf32, #tpu.memory_space<vmem>>, %arg11: memref<128x128xf32, #tpu.memory_space<vmem>>, %arg12: memref<1x128xf32, #tpu.memory_space<vmem>>, %arg13: memref<1x128xf32, #tpu.memory_space<vmem>>, %arg14: memref<1x128xf32, #tpu.memory_space<vmem>>, %arg15: memref<1x128xf32, #tpu.memory_space<vmem>>, %arg16: memref<1x128xf32, #tpu.memory_space<vmem>>, %arg17: memref<1000x128xf32, #tpu.memory_space<vmem>>, %arg18: memref<1x1x128xf32, #tpu.memory_space<vmem>>, %arg19: memref<1x1x128xf32, #tpu.memory_space<vmem>>) attributes {dimension_semantics = [#tpu.dimension_semantics<arbitrary>], iteration_bounds = array<i64: 10>, scalar_prefetch = 0 : i64, scratch_operands = 0 : i64, tpu.core_type = #tpu.core_type<tc>, window_params = [{transform_indices = @transform_0, window_bounds = array<i64: 2, 1000, 128>}, {transform_indices = @transform_1, window_bounds = array<i64: 1000, 1>}, {transform_indices = @transform_2, window_bounds = array<i64: 1000, 128>}, {transform_indices = @transform_3, window_bounds = array<i64: 1000, 128>}, {pipeline_mode = #tpu.pipeline_mode<synchronous>, transform_indices = @transform_4, window_bounds = array<i64: 128, 128>}, {pipeline_mode = #tpu.pipeline_mode<synchronous>, transform_indices = @transform_5, window_bounds = array<i64: 1, 128>}, {pipeline_mode = #tpu.pipeline_mode<synchronous>, transform_indices = @transform_6, window_bounds = array<i64: 128, 128>}, {pipeline_mode = #tpu.pipeline_mode<synchronous>, transform_indices = @transform_7, window_bounds = array<i64: 1, 128>}, {pipeline_mode = #tpu.pipeline_mode<synchronous>, transform_indices = @transform_8, window_bounds = array<i64: 128, 128>}, {pipeline_mode = #tpu.pipeline_mode<synchronous>, transform_indices = @transform_9, window_bounds = array<i64: 1, 128>}, {pipeline_mode = #tpu.pipeline_mode<synchronous>, transform_indices = @transform_10, window_bounds = array<i64: 128, 128>}, {pipeline_mode = #tpu.pipeline_mode<synchronous>, transform_indices = @transform_11, window_bounds = array<i64: 1, 128>}, {pipeline_mode = #tpu.pipeline_mode<synchronous>, transform_indices = @transform_12, window_bounds = array<i64: 1, 128>}, {pipeline_mode = #tpu.pipeline_mode<synchronous>, transform_indices = @transform_13, window_bounds = array<i64: 1, 128>}, {pipeline_mode = #tpu.pipeline_mode<synchronous>, transform_indices = @transform_14, window_bounds = array<i64: 1, 128>}, {pipeline_mode = #tpu.pipeline_mode<synchronous>, transform_indices = @transform_15, window_bounds = array<i64: 1, 128>}, {transform_indices = @transform_16, window_bounds = array<i64: 1000, 128>}, {transform_indices = @transform_17, window_bounds = array<i64: 1, 1, 128>}, {transform_indices = @transform_18, window_bounds = array<i64: 1, 1, 128>}]} {
    %get3A = arith.constant 0 : index
    %get3A_0 = arith.constant 0 : index
    %get3A_1 = vector.load %arg2[%get3A, %get3A_0] : memref<1000x1xf32, #tpu.memory_space<vmem>>, vector<1000x1xf32>
    %get3A_2 = arith.constant 0 : index
    %get3A_3 = arith.constant 0 : index
    %get3A_4 = arith.constant 0 : index
    %get3A_5 = vector.load %arg1[%get3A_2, %get3A_3, %get3A_4] : memref<2x1000x128xf32, #tpu.memory_space<vmem>>, vector<1x1000x128xf32>
    %get3A_6 = vector.shape_cast %get3A_5 : vector<1x1000x128xf32> to vector<1000x128xf32>
    %mul3A = vector.broadcast %get3A_1 : vector<1000x1xf32> to vector<1000x128xf32>
    %mul3A_7 = arith.mulf %get3A_6, %mul3A : vector<1000x128xf32>
    %get3A_8 = arith.constant 1 : index
    %get3A_9 = arith.constant 0 : index
    %get3A_10 = arith.constant 0 : index
    %get3A_11 = vector.load %arg1[%get3A_8, %get3A_9, %get3A_10] : memref<2x1000x128xf32, #tpu.memory_space<vmem>>, vector<1x1000x128xf32>
    %get3A_12 = vector.shape_cast %get3A_11 : vector<1x1000x128xf32> to vector<1000x128xf32>
    %mul3A_13 = vector.broadcast %get3A_1 : vector<1000x1xf32> to vector<1000x128xf32>
    %mul3A_14 = arith.mulf %get3A_12, %mul3A_13 : vector<1000x128xf32>
    %get3A_15 = arith.constant 0 : index
    %get3A_16 = arith.constant 0 : index
    %get3A_17 = vector.load %arg5[%get3A_15, %get3A_16] : memref<128x128xf32, #tpu.memory_space<vmem>>, vector<128x128xf32>
    %dot_general3A = arith.constant dense<0.000000e+00> : vector<1000x128xf32>
    %dot_general3A_18 = tpu.matmul %mul3A_7, %get3A_17, %dot_general3A {dimension_numbers = #tpu.dot_dimension_numbers<[1], [0], [0], [1], [0, 0, 1, 1], [], []>, precision = #tpu.contract_precision<fp32>, transpose_lhs_hint = false} : vector<1000x128xf32>, vector<128x128xf32>, vector<1000x128xf32> -> vector<1000x128xf32>
    %get3A_19 = arith.constant 0 : index
    %get3A_20 = arith.constant 0 : index
    %get3A_21 = vector.load %arg6[%get3A_19, %get3A_20] : memref<1x128xf32, #tpu.memory_space<vmem>>, vector<1x128xf32>
    %add3A = vector.broadcast %get3A_21 : vector<1x128xf32> to vector<1000x128xf32>
    %add3A_22 = arith.addf %dot_general3A_18, %add3A : vector<1000x128xf32>
    %tanh3A = math.tanh %add3A_22 : vector<1000x128xf32>
    %get3A_23 = arith.constant 0 : index
    %get3A_24 = arith.constant 0 : index
    %get3A_25 = vector.load %arg7[%get3A_23, %get3A_24] : memref<128x128xf32, #tpu.memory_space<vmem>>, vector<128x128xf32>
    %dot_general3A_26 = arith.constant dense<0.000000e+00> : vector<1000x128xf32>
    %dot_general3A_27 = tpu.matmul %mul3A_14, %get3A_25, %dot_general3A_26 {dimension_numbers = #tpu.dot_dimension_numbers<[1], [0], [0], [1], [0, 0, 1, 1], [], []>, precision = #tpu.contract_precision<fp32>, transpose_lhs_hint = false} : vector<1000x128xf32>, vector<128x128xf32>, vector<1000x128xf32> -> vector<1000x128xf32>
    %get3A_28 = arith.constant 0 : index
    %get3A_29 = arith.constant 0 : index
    %get3A_30 = vector.load %arg8[%get3A_28, %get3A_29] : memref<1x128xf32, #tpu.memory_space<vmem>>, vector<1x128xf32>
    %add3A_31 = vector.broadcast %get3A_30 : vector<1x128xf32> to vector<1000x128xf32>
    %add3A_32 = arith.addf %dot_general3A_27, %add3A_31 : vector<1000x128xf32>
    %tanh3A_33 = math.tanh %add3A_32 : vector<1000x128xf32>
    %get3A_34 = arith.constant 0 : index
    %get3A_35 = arith.constant 0 : index
    %get3A_36 = vector.load %arg3[%get3A_34, %get3A_35] : memref<1000x128xf32, #tpu.memory_space<vmem>>, vector<1000x128xf32>
    %max3A = arith.maximumf %get3A_36, %tanh3A : vector<1000x128xf32>
    %get3A_37 = arith.constant 0 : index
    %get3A_38 = arith.constant 0 : index
    %get3A_39 = vector.load %arg4[%get3A_37, %get3A_38] : memref<1000x128xf32, #tpu.memory_space<vmem>>, vector<1000x128xf32>
    %max3A_40 = arith.maximumf %get3A_39, %tanh3A_33 : vector<1000x128xf32>
    %get3A_41 = arith.constant 0 : index
    %get3A_42 = arith.constant 0 : index
    %get3A_43 = vector.load %arg9[%get3A_41, %get3A_42] : memref<128x128xf32, #tpu.memory_space<vmem>>, vector<128x128xf32>
    %dot_general3A_44 = arith.constant dense<0.000000e+00> : vector<1000x128xf32>
    %dot_general3A_45 = tpu.matmul %max3A, %get3A_43, %dot_general3A_44 {dimension_numbers = #tpu.dot_dimension_numbers<[1], [0], [0], [1], [0, 0, 1, 1], [], []>, precision = #tpu.contract_precision<fp32>, transpose_lhs_hint = false} : vector<1000x128xf32>, vector<128x128xf32>, vector<1000x128xf32> -> vector<1000x128xf32>
    %get3A_46 = arith.constant 0 : index
    %get3A_47 = arith.constant 0 : index
    %get3A_48 = vector.load %arg10[%get3A_46, %get3A_47] : memref<1x128xf32, #tpu.memory_space<vmem>>, vector<1x128xf32>
    %add3A_49 = vector.broadcast %get3A_48 : vector<1x128xf32> to vector<1000x128xf32>
    %add3A_50 = arith.addf %dot_general3A_45, %add3A_49 : vector<1000x128xf32>
    %get3A_51 = arith.constant 0 : index
    %get3A_52 = arith.constant 0 : index
    %get3A_53 = vector.load %arg11[%get3A_51, %get3A_52] : memref<128x128xf32, #tpu.memory_space<vmem>>, vector<128x128xf32>
    %dot_general3A_54 = arith.constant dense<0.000000e+00> : vector<1000x128xf32>
    %dot_general3A_55 = tpu.matmul %max3A_40, %get3A_53, %dot_general3A_54 {dimension_numbers = #tpu.dot_dimension_numbers<[1], [0], [0], [1], [0, 0, 1, 1], [], []>, precision = #tpu.contract_precision<fp32>, transpose_lhs_hint = false} : vector<1000x128xf32>, vector<128x128xf32>, vector<1000x128xf32> -> vector<1000x128xf32>
    %get3A_56 = arith.constant 0 : index
    %get3A_57 = arith.constant 0 : index
    %get3A_58 = vector.load %arg12[%get3A_56, %get3A_57] : memref<1x128xf32, #tpu.memory_space<vmem>>, vector<1x128xf32>
    %add3A_59 = vector.broadcast %get3A_58 : vector<1x128xf32> to vector<1000x128xf32>
    %add3A_60 = arith.addf %dot_general3A_55, %add3A_59 : vector<1000x128xf32>
    %get3A_61 = arith.constant 0 : index
    %get3A_62 = arith.constant 0 : index
    %get3A_63 = vector.load %arg13[%get3A_61, %get3A_62] : memref<1x128xf32, #tpu.memory_space<vmem>>, vector<1x128xf32>
    %get3A_64 = arith.constant 0 : index
    %get3A_65 = arith.constant 0 : index
    %get3A_66 = vector.load %arg14[%get3A_64, %get3A_65] : memref<1x128xf32, #tpu.memory_space<vmem>>, vector<1x128xf32>
    %reduce_sum3A = arith.constant dense<0.000000e+00> : vector<1000xf32>
    %reduce_sum3A_67 = vector.multi_reduction <add>, %add3A_50, %reduce_sum3A [1] : vector<1000x128xf32> to vector<1000xf32>
    %broadcast_in_dim3A = vector.shape_cast %reduce_sum3A_67 : vector<1000xf32> to vector<1000x1xf32>
    %div3A = arith.constant 1.280000e+02 : f32
    %div3A_68 = vector.broadcast %div3A : f32 to vector<1000x1xf32>
    %div3A_69 = arith.divf %broadcast_in_dim3A, %div3A_68 : vector<1000x1xf32>
    %sub3A = vector.broadcast %div3A_69 : vector<1000x1xf32> to vector<1000x128xf32>
    %sub3A_70 = arith.subf %add3A_50, %sub3A : vector<1000x128xf32>
    %sub3A_71 = vector.broadcast %div3A_69 : vector<1000x1xf32> to vector<1000x128xf32>
    %sub3A_72 = arith.subf %add3A_50, %sub3A_71 : vector<1000x128xf32>
    %mul3A_73 = arith.mulf %sub3A_70, %sub3A_72 : vector<1000x128xf32>
    %reduce_sum3A_74 = arith.constant dense<0.000000e+00> : vector<1000xf32>
    %reduce_sum3A_75 = vector.multi_reduction <add>, %mul3A_73, %reduce_sum3A_74 [1] : vector<1000x128xf32> to vector<1000xf32>
    %broadcast_in_dim3A_76 = vector.shape_cast %reduce_sum3A_75 : vector<1000xf32> to vector<1000x1xf32>
    %div3A_77 = arith.constant 1.280000e+02 : f32
    %div3A_78 = vector.broadcast %div3A_77 : f32 to vector<1000x1xf32>
    %div3A_79 = arith.divf %broadcast_in_dim3A_76, %div3A_78 : vector<1000x1xf32>
    %sub3A_80 = vector.broadcast %div3A_69 : vector<1000x1xf32> to vector<1000x128xf32>
    %sub3A_81 = arith.subf %add3A_50, %sub3A_80 : vector<1000x128xf32>
    %add3A_82 = arith.constant 9.99999974E-6 : f32
    %add3A_83 = vector.broadcast %add3A_82 : f32 to vector<1000x1xf32>
    %add3A_84 = arith.addf %div3A_79, %add3A_83 : vector<1000x1xf32>
    %rsqrt3A = math.rsqrt %add3A_84 : vector<1000x1xf32>
    %mul3A_85 = vector.broadcast %rsqrt3A : vector<1000x1xf32> to vector<1000x128xf32>
    %mul3A_86 = arith.mulf %sub3A_81, %mul3A_85 : vector<1000x128xf32>
    %mul3A_87 = vector.broadcast %get3A_63 : vector<1x128xf32> to vector<1000x128xf32>
    %mul3A_88 = arith.mulf %mul3A_86, %mul3A_87 : vector<1000x128xf32>
    %add3A_89 = vector.broadcast %get3A_66 : vector<1x128xf32> to vector<1000x128xf32>
    %add3A_90 = arith.addf %mul3A_88, %add3A_89 : vector<1000x128xf32>
    %get3A_91 = arith.constant 0 : index
    %get3A_92 = arith.constant 0 : index
    %get3A_93 = vector.load %arg15[%get3A_91, %get3A_92] : memref<1x128xf32, #tpu.memory_space<vmem>>, vector<1x128xf32>
    %get3A_94 = arith.constant 0 : index
    %get3A_95 = arith.constant 0 : index
    %get3A_96 = vector.load %arg16[%get3A_94, %get3A_95] : memref<1x128xf32, #tpu.memory_space<vmem>>, vector<1x128xf32>
    %reduce_sum3A_97 = arith.constant dense<0.000000e+00> : vector<1000xf32>
    %reduce_sum3A_98 = vector.multi_reduction <add>, %add3A_60, %reduce_sum3A_97 [1] : vector<1000x128xf32> to vector<1000xf32>
    %broadcast_in_dim3A_99 = vector.shape_cast %reduce_sum3A_98 : vector<1000xf32> to vector<1000x1xf32>
    %div3A_100 = arith.constant 1.280000e+02 : f32
    %div3A_101 = vector.broadcast %div3A_100 : f32 to vector<1000x1xf32>
    %div3A_102 = arith.divf %broadcast_in_dim3A_99, %div3A_101 : vector<1000x1xf32>
    %sub3A_103 = vector.broadcast %div3A_102 : vector<1000x1xf32> to vector<1000x128xf32>
    %sub3A_104 = arith.subf %add3A_60, %sub3A_103 : vector<1000x128xf32>
    %sub3A_105 = vector.broadcast %div3A_102 : vector<1000x1xf32> to vector<1000x128xf32>
    %sub3A_106 = arith.subf %add3A_60, %sub3A_105 : vector<1000x128xf32>
    %mul3A_107 = arith.mulf %sub3A_104, %sub3A_106 : vector<1000x128xf32>
    %reduce_sum3A_108 = arith.constant dense<0.000000e+00> : vector<1000xf32>
    %reduce_sum3A_109 = vector.multi_reduction <add>, %mul3A_107, %reduce_sum3A_108 [1] : vector<1000x128xf32> to vector<1000xf32>
    %broadcast_in_dim3A_110 = vector.shape_cast %reduce_sum3A_109 : vector<1000xf32> to vector<1000x1xf32>
    %div3A_111 = arith.constant 1.280000e+02 : f32
    %div3A_112 = vector.broadcast %div3A_111 : f32 to vector<1000x1xf32>
    %div3A_113 = arith.divf %broadcast_in_dim3A_110, %div3A_112 : vector<1000x1xf32>
    %sub3A_114 = vector.broadcast %div3A_102 : vector<1000x1xf32> to vector<1000x128xf32>
    %sub3A_115 = arith.subf %add3A_60, %sub3A_114 : vector<1000x128xf32>
    %add3A_116 = arith.constant 9.99999974E-6 : f32
    %add3A_117 = vector.broadcast %add3A_116 : f32 to vector<1000x1xf32>
    %add3A_118 = arith.addf %div3A_113, %add3A_117 : vector<1000x1xf32>
    %rsqrt3A_119 = math.rsqrt %add3A_118 : vector<1000x1xf32>
    %mul3A_120 = vector.broadcast %rsqrt3A_119 : vector<1000x1xf32> to vector<1000x128xf32>
    %mul3A_121 = arith.mulf %sub3A_115, %mul3A_120 : vector<1000x128xf32>
    %mul3A_122 = vector.broadcast %get3A_93 : vector<1x128xf32> to vector<1000x128xf32>
    %mul3A_123 = arith.mulf %mul3A_121, %mul3A_122 : vector<1000x128xf32>
    %add3A_124 = vector.broadcast %get3A_96 : vector<1x128xf32> to vector<1000x128xf32>
    %add3A_125 = arith.addf %mul3A_123, %add3A_124 : vector<1000x128xf32>
    %add3A_126 = arith.addf %add3A_90, %add3A_125 : vector<1000x128xf32>
    %mul3A_127 = arith.constant 5.000000e-01 : f32
    %mul3A_128 = vector.broadcast %mul3A_127 : f32 to vector<1000x128xf32>
    %mul3A_129 = arith.mulf %add3A_126, %mul3A_128 : vector<1000x128xf32>
    %swap3A = arith.constant 0 : index
    %swap3A_130 = arith.constant 0 : index
    %swap3A_131 = vector.load %arg17[%swap3A, %swap3A_130] : memref<1000x128xf32, #tpu.memory_space<vmem>>, vector<1000x128xf32>
    tpu.vector_store %arg17[%swap3A, %swap3A_130], %mul3A_129 {strides = array<i32>} : memref<1000x128xf32, #tpu.memory_space<vmem>>, vector<1000x128xf32>,
    %reduce_sum3A_132 = arith.constant dense<0.000000e+00> : vector<128xf32>
    %reduce_sum3A_133 = vector.multi_reduction <add>, %mul3A_129, %reduce_sum3A_132 [0] : vector<1000x128xf32> to vector<128xf32>
    %broadcast_in_dim3A_134 = vector.shape_cast %reduce_sum3A_133 : vector<128xf32> to vector<1x128xf32>
    %swap3A_135 = arith.constant 0 : index
    %swap3A_136 = arith.constant 0 : index
    %swap3A_137 = arith.constant 0 : index
    %swap3A_138 = vector.load %arg18[%swap3A_135, %swap3A_136, %swap3A_137] : memref<1x1x128xf32, #tpu.memory_space<vmem>>, vector<1x1x128xf32>
    %swap3A_139 = vector.shape_cast %swap3A_138 : vector<1x1x128xf32> to vector<1x128xf32>
    %swap3A_140 = vector.shape_cast %broadcast_in_dim3A_134 : vector<1x128xf32> to vector<1x1x128xf32>
    tpu.vector_store %arg18[%swap3A_135, %swap3A_136, %swap3A_137], %swap3A_140 {strides = array<i32>} : memref<1x1x128xf32, #tpu.memory_space<vmem>>, vector<1x1x128xf32>,
    %mul3A_141 = arith.mulf %mul3A_129, %mul3A_129 : vector<1000x128xf32>
    %reduce_sum3A_142 = arith.constant dense<0.000000e+00> : vector<128xf32>
    %reduce_sum3A_143 = vector.multi_reduction <add>, %mul3A_141, %reduce_sum3A_142 [0] : vector<1000x128xf32> to vector<128xf32>
    %broadcast_in_dim3A_144 = vector.shape_cast %reduce_sum3A_143 : vector<128xf32> to vector<1x128xf32>
    %swap3A_145 = arith.constant 0 : index
    %swap3A_146 = arith.constant 0 : index
    %swap3A_147 = arith.constant 0 : index
    %swap3A_148 = vector.load %arg19[%swap3A_145, %swap3A_146, %swap3A_147] : memref<1x1x128xf32, #tpu.memory_space<vmem>>, vector<1x1x128xf32>
    %swap3A_149 = vector.shape_cast %swap3A_148 : vector<1x1x128xf32> to vector<1x128xf32>
    %swap3A_150 = vector.shape_cast %broadcast_in_dim3A_144 : vector<1x128xf32> to vector<1x1x128xf32>
    tpu.vector_store %arg19[%swap3A_145, %swap3A_146, %swap3A_147], %swap3A_150 {strides = array<i32>} : memref<1x1x128xf32, #tpu.memory_space<vmem>>, vector<1x1x128xf32>,
    return
  }
  func.func @transform_0(%arg0: i32) -> (i32, i32, i32) {
    %c0_i32 = arith.constant 0 : i32
    %c0_i32_0 = arith.constant 0 : i32
    %c0_i32_1 = arith.constant 0 : i32
    return %c0_i32, %arg0, %c0_i32_0 : i32, i32, i32
  }
  func.func @transform_1(%arg0: i32) -> (i32, i32) {
    %c0_i32 = arith.constant 0 : i32
    %c0_i32_0 = arith.constant 0 : i32
    return %arg0, %c0_i32 : i32, i32
  }
  func.func @transform_2(%arg0: i32) -> (i32, i32) {
    %c0_i32 = arith.constant 0 : i32
    %c0_i32_0 = arith.constant 0 : i32
    return %arg0, %c0_i32 : i32, i32
  }
  func.func @transform_3(%arg0: i32) -> (i32, i32) {
    %c0_i32 = arith.constant 0 : i32
    %c0_i32_0 = arith.constant 0 : i32
    return %arg0, %c0_i32 : i32, i32
  }
  func.func @transform_4(%arg0: i32) -> (i32, i32) {
    %c0_i32 = arith.constant 0 : i32
    %c0_i32_0 = arith.constant 0 : i32
    %c0_i32_1 = arith.constant 0 : i32
    return %c0_i32, %c0_i32_0 : i32, i32
  }
  func.func @transform_5(%arg0: i32) -> (i32, i32) {
    %c0_i32 = arith.constant 0 : i32
    %c0_i32_0 = arith.constant 0 : i32
    %c0_i32_1 = arith.constant 0 : i32
    return %c0_i32, %c0_i32_0 : i32, i32
  }
  func.func @transform_6(%arg0: i32) -> (i32, i32) {
    %c0_i32 = arith.constant 0 : i32
    %c0_i32_0 = arith.constant 0 : i32
    %c0_i32_1 = arith.constant 0 : i32
    return %c0_i32, %c0_i32_0 : i32, i32
  }
  func.func @transform_7(%arg0: i32) -> (i32, i32) {
    %c0_i32 = arith.constant 0 : i32
    %c0_i32_0 = arith.constant 0 : i32
    %c0_i32_1 = arith.constant 0 : i32
    return %c0_i32, %c0_i32_0 : i32, i32
  }
  func.func @transform_8(%arg0: i32) -> (i32, i32) {
    %c0_i32 = arith.constant 0 : i32
    %c0_i32_0 = arith.constant 0 : i32
    %c0_i32_1 = arith.constant 0 : i32
    return %c0_i32, %c0_i32_0 : i32, i32
  }
  func.func @transform_9(%arg0: i32) -> (i32, i32) {
    %c0_i32 = arith.constant 0 : i32
    %c0_i32_0 = arith.constant 0 : i32
    %c0_i32_1 = arith.constant 0 : i32
    return %c0_i32, %c0_i32_0 : i32, i32
  }
  func.func @transform_10(%arg0: i32) -> (i32, i32) {
    %c0_i32 = arith.constant 0 : i32
    %c0_i32_0 = arith.constant 0 : i32
    %c0_i32_1 = arith.constant 0 : i32
    return %c0_i32, %c0_i32_0 : i32, i32
  }
  func.func @transform_11(%arg0: i32) -> (i32, i32) {
    %c0_i32 = arith.constant 0 : i32
    %c0_i32_0 = arith.constant 0 : i32
    %c0_i32_1 = arith.constant 0 : i32
    return %c0_i32, %c0_i32_0 : i32, i32
  }
  func.func @transform_12(%arg0: i32) -> (i32, i32) {
    %c0_i32 = arith.constant 0 : i32
    %c0_i32_0 = arith.constant 0 : i32
    %c0_i32_1 = arith.constant 0 : i32
    return %c0_i32, %c0_i32_0 : i32, i32
  }
  func.func @transform_13(%arg0: i32) -> (i32, i32) {
    %c0_i32 = arith.constant 0 : i32
    %c0_i32_0 = arith.constant 0 : i32
    %c0_i32_1 = arith.constant 0 : i32
    return %c0_i32, %c0_i32_0 : i32, i32
  }
  func.func @transform_14(%arg0: i32) -> (i32, i32) {
    %c0_i32 = arith.constant 0 : i32
    %c0_i32_0 = arith.constant 0 : i32
    %c0_i32_1 = arith.constant 0 : i32
    return %c0_i32, %c0_i32_0 : i32, i32
  }
  func.func @transform_15(%arg0: i32) -> (i32, i32) {
    %c0_i32 = arith.constant 0 : i32
    %c0_i32_0 = arith.constant 0 : i32
    %c0_i32_1 = arith.constant 0 : i32
    return %c0_i32, %c0_i32_0 : i32, i32
  }
  func.func @transform_16(%arg0: i32) -> (i32, i32) {
    %c0_i32 = arith.constant 0 : i32
    %c0_i32_0 = arith.constant 0 : i32
    return %arg0, %c0_i32 : i32, i32
  }
  func.func @transform_17(%arg0: i32) -> (i32, i32, i32) {
    %c0_i32 = arith.constant 0 : i32
    %c0_i32_0 = arith.constant 0 : i32
    %c0_i32_1 = arith.constant 0 : i32
    return %arg0, %c0_i32, %c0_i32_0 : i32, i32, i32
  }
  func.func @transform_18(%arg0: i32) -> (i32, i32, i32) {
    %c0_i32 = arith.constant 0 : i32
    %c0_i32_0 = arith.constant 0 : i32
    %c0_i32_1 = arith.constant 0 : i32
    return %arg0, %c0_i32, %c0_i32_0 : i32, i32, i32
  }
}

module attributes {stable_mosaic.version = 14 : i64} {
  func.func @_tc_head_body(%arg0: i32, %arg1: memref<1000x128xf32, #tpu.memory_space<vmem>>, %arg2: memref<10x1x128xf32, #tpu.memory_space<vmem>>, %arg3: memref<10x1x128xf32, #tpu.memory_space<vmem>>, %arg4: memref<1x128xf32, #tpu.memory_space<vmem>>, %arg5: memref<1x128xf32, #tpu.memory_space<vmem>>, %arg6: memref<1x128xf32, #tpu.memory_space<vmem>>, %arg7: memref<1000x1xf32, #tpu.memory_space<vmem>>) attributes {dimension_semantics = [#tpu.dimension_semantics<arbitrary>], iteration_bounds = array<i64: 10>, scalar_prefetch = 0 : i64, scratch_operands = 0 : i64, tpu.core_type = #tpu.core_type<tc>, window_params = [{transform_indices = @transform_0, window_bounds = array<i64: 1000, 128>}, {pipeline_mode = #tpu.pipeline_mode<synchronous>, transform_indices = @transform_1, window_bounds = array<i64: 10, 1, 128>}, {pipeline_mode = #tpu.pipeline_mode<synchronous>, transform_indices = @transform_2, window_bounds = array<i64: 10, 1, 128>}, {pipeline_mode = #tpu.pipeline_mode<synchronous>, transform_indices = @transform_3, window_bounds = array<i64: 1, 128>}, {pipeline_mode = #tpu.pipeline_mode<synchronous>, transform_indices = @transform_4, window_bounds = array<i64: 1, 128>}, {pipeline_mode = #tpu.pipeline_mode<synchronous>, transform_indices = @transform_5, window_bounds = array<i64: 1, 128>}, {transform_indices = @transform_6, window_bounds = array<i64: 1000, 1>}]} {
    %get3A = arith.constant 0 : index
    %get3A_0 = arith.constant 0 : index
    %get3A_1 = arith.constant 0 : index
    %get3A_2 = vector.load %arg2[%get3A, %get3A_0, %get3A_1] : memref<10x1x128xf32, #tpu.memory_space<vmem>>, vector<10x1x128xf32>
    %get3A_3 = vector.shape_cast %get3A_2 : vector<10x1x128xf32> to vector<10x128xf32>
    %reduce_sum3A = arith.constant dense<0.000000e+00> : vector<128xf32>
    %reduce_sum3A_4 = vector.multi_reduction <add>, %get3A_3, %reduce_sum3A [0] : vector<10x128xf32> to vector<128xf32>
    %div3A = arith.constant 1.000000e+04 : f32
    %div3A_5 = vector.broadcast %div3A : f32 to vector<128xf32>
    %div3A_6 = arith.divf %reduce_sum3A_4, %div3A_5 : vector<128xf32>
    %get3A_7 = arith.constant 0 : index
    %get3A_8 = arith.constant 0 : index
    %get3A_9 = arith.constant 0 : index
    %get3A_10 = vector.load %arg3[%get3A_7, %get3A_8, %get3A_9] : memref<10x1x128xf32, #tpu.memory_space<vmem>>, vector<10x1x128xf32>
    %get3A_11 = vector.shape_cast %get3A_10 : vector<10x1x128xf32> to vector<10x128xf32>
    %reduce_sum3A_12 = arith.constant dense<0.000000e+00> : vector<128xf32>
    %reduce_sum3A_13 = vector.multi_reduction <add>, %get3A_11, %reduce_sum3A_12 [0] : vector<10x128xf32> to vector<128xf32>
    %div3A_14 = arith.constant 1.000000e+04 : f32
    %div3A_15 = vector.broadcast %div3A_14 : f32 to vector<128xf32>
    %div3A_16 = arith.divf %reduce_sum3A_13, %div3A_15 : vector<128xf32>
    %mul3A = arith.mulf %div3A_6, %div3A_6 : vector<128xf32>
    %sub3A = arith.subf %div3A_16, %mul3A : vector<128xf32>
    %add3A = arith.constant 9.99999974E-6 : f32
    %add3A_17 = vector.broadcast %add3A : f32 to vector<128xf32>
    %add3A_18 = arith.addf %sub3A, %add3A_17 : vector<128xf32>
    %rsqrt3A = math.rsqrt %add3A_18 : vector<128xf32>
    %get3A_19 = arith.constant 0 : index
    %get3A_20 = arith.constant 0 : index
    %get3A_21 = vector.load %arg6[%get3A_19, %get3A_20] : memref<1x128xf32, #tpu.memory_space<vmem>>, vector<1x128xf32>
    %get3A_22 = vector.shape_cast %get3A_21 : vector<1x128xf32> to vector<128xf32>
    %get3A_23 = arith.constant 0 : index
    %get3A_24 = arith.constant 0 : index
    %get3A_25 = vector.load %arg4[%get3A_23, %get3A_24] : memref<1x128xf32, #tpu.memory_space<vmem>>, vector<1x128xf32>
    %get3A_26 = vector.shape_cast %get3A_25 : vector<1x128xf32> to vector<128xf32>
    %mul3A_27 = arith.mulf %get3A_22, %get3A_26 : vector<128xf32>
    %mul3A_28 = arith.mulf %mul3A_27, %rsqrt3A : vector<128xf32>
    %get3A_29 = arith.constant 0 : index
    %get3A_30 = arith.constant 0 : index
    %get3A_31 = vector.load %arg6[%get3A_29, %get3A_30] : memref<1x128xf32, #tpu.memory_space<vmem>>, vector<1x128xf32>
    %get3A_32 = vector.shape_cast %get3A_31 : vector<1x128xf32> to vector<128xf32>
    %get3A_33 = arith.constant 0 : index
    %get3A_34 = arith.constant 0 : index
    %get3A_35 = vector.load %arg5[%get3A_33, %get3A_34] : memref<1x128xf32, #tpu.memory_space<vmem>>, vector<1x128xf32>
    %get3A_36 = vector.shape_cast %get3A_35 : vector<1x128xf32> to vector<128xf32>
    %mul3A_37 = arith.mulf %div3A_6, %rsqrt3A : vector<128xf32>
    %get3A_38 = arith.constant 0 : index
    %get3A_39 = arith.constant 0 : index
    %get3A_40 = vector.load %arg4[%get3A_38, %get3A_39] : memref<1x128xf32, #tpu.memory_space<vmem>>, vector<1x128xf32>
    %get3A_41 = vector.shape_cast %get3A_40 : vector<1x128xf32> to vector<128xf32>
    %mul3A_42 = arith.mulf %mul3A_37, %get3A_41 : vector<128xf32>
    %sub3A_43 = arith.subf %get3A_36, %mul3A_42 : vector<128xf32>
    %mul3A_44 = arith.mulf %get3A_32, %sub3A_43 : vector<128xf32>
    %reduce_sum3A_45 = vector.shape_cast %mul3A_44 : vector<128xf32> to vector<1x128xf32>
    %reduce_sum3A_46 = arith.constant dense<0.000000e+00> : vector<1xf32>
    %reduce_sum3A_47 = vector.multi_reduction <add>, %reduce_sum3A_45, %reduce_sum3A_46 [1] : vector<1x128xf32> to vector<1xf32>
    %reduce_sum3A_48 = vector.shape_cast %reduce_sum3A_47 : vector<1xf32> to vector<1x1xf32>
    %reduce_sum3A_49 = vector.extract %reduce_sum3A_48[0, 0] : f32 from vector<1x1xf32>
    %get3A_50 = arith.constant 0 : index
    %get3A_51 = arith.constant 0 : index
    %get3A_52 = vector.load %arg1[%get3A_50, %get3A_51] : memref<1000x128xf32, #tpu.memory_space<vmem>>, vector<1000x128xf32>
    %broadcast_in_dim3A = vector.shape_cast %mul3A_28 : vector<128xf32> to vector<128x1xf32>
    %dot_general3A = arith.constant dense<0.000000e+00> : vector<1000x1xf32>
    %dot_general3A_53 = tpu.matmul %get3A_52, %broadcast_in_dim3A, %dot_general3A {dimension_numbers = #tpu.dot_dimension_numbers<[1], [0], [0], [1], [0, 0, 1, 1], [], []>, precision = #tpu.contract_precision<fp32>, transpose_lhs_hint = false} : vector<1000x128xf32>, vector<128x1xf32>, vector<1000x1xf32> -> vector<1000x1xf32>
    %add3A_54 = vector.broadcast %reduce_sum3A_49 : f32 to vector<1000x1xf32>
    %add3A_55 = arith.addf %dot_general3A_53, %add3A_54 : vector<1000x1xf32>
    %swap3A = arith.constant 0 : index
    %swap3A_56 = arith.constant 0 : index
    %swap3A_57 = vector.load %arg7[%swap3A, %swap3A_56] : memref<1000x1xf32, #tpu.memory_space<vmem>>, vector<1000x1xf32>
    tpu.vector_store %arg7[%swap3A, %swap3A_56], %add3A_55 {strides = array<i32>} : memref<1000x1xf32, #tpu.memory_space<vmem>>, vector<1000x1xf32>,
    return
  }
  func.func @transform_0(%arg0: i32) -> (i32, i32) {
    %c0_i32 = arith.constant 0 : i32
    %c0_i32_0 = arith.constant 0 : i32
    return %arg0, %c0_i32 : i32, i32
  }
  func.func @transform_1(%arg0: i32) -> (i32, i32, i32) {
    %c0_i32 = arith.constant 0 : i32
    %c0_i32_0 = arith.constant 0 : i32
    %c0_i32_1 = arith.constant 0 : i32
    %c0_i32_2 = arith.constant 0 : i32
    return %c0_i32, %c0_i32_0, %c0_i32_1 : i32, i32, i32
  }
  func.func @transform_2(%arg0: i32) -> (i32, i32, i32) {
    %c0_i32 = arith.constant 0 : i32
    %c0_i32_0 = arith.constant 0 : i32
    %c0_i32_1 = arith.constant 0 : i32
    %c0_i32_2 = arith.constant 0 : i32
    return %c0_i32, %c0_i32_0, %c0_i32_1 : i32, i32, i32
  }
  func.func @transform_3(%arg0: i32) -> (i32, i32) {
    %c0_i32 = arith.constant 0 : i32
    %c0_i32_0 = arith.constant 0 : i32
    %c0_i32_1 = arith.constant 0 : i32
    return %c0_i32, %c0_i32_0 : i32, i32
  }
  func.func @transform_4(%arg0: i32) -> (i32, i32) {
    %c0_i32 = arith.constant 0 : i32
    %c0_i32_0 = arith.constant 0 : i32
    %c0_i32_1 = arith.constant 0 : i32
    return %c0_i32, %c0_i32_0 : i32, i32
  }
  func.func @transform_5(%arg0: i32) -> (i32, i32) {
    %c0_i32 = arith.constant 0 : i32
    %c0_i32_0 = arith.constant 0 : i32
    %c0_i32_1 = arith.constant 0 : i32
    return %c0_i32, %c0_i32_0 : i32, i32
  }
  func.func @transform_6(%arg0: i32) -> (i32, i32) {
    %c0_i32 = arith.constant 0 : i32
    %c0_i32_0 = arith.constant 0 : i32
    return %arg0, %c0_i32 : i32, i32
  }
}

</mosaic_0001>

<sc_bundles>
// kernel: kernel.12.cloned.1.call-start
scs
__scs_entry_jumppad:
0x0: {  	(pc) =	sbr.rel $0x88, $3  }
0x1: {  	(tag) =	ssettag $0x0;
	lr =	simm.s32 $0x1  }
0x2: {  	[smem:$0x3F8C] =	sst lr;
	_ =	strace $0xD0000000  }
0x3: {  	_ = 	snop  }
0x4: {  	_ = 	snop  }
0x5: {  	_ = 	snop  }
0x6: {  	_ = 	snop  }
0x7: {  	_ = 	snop  }
__scs_overlays_trampoline_lowered:
0x8: {  	[smem:$0x3F9B] =	sst s0  }
0x9: {  	[smem:$0x3F9C] =	sst s1  }
0xa: {  	[smem:$0x3F9D] =	sst s2  }
0xb: {  	[smem:$0x3F9E] =	sst s3  }
0xc: {  	[smem:$0x3F9F] =	sst s4  }
0xd: {  	[smem:$0x3FA0] =	sst s5  }
0xe: {  	[smem:$0x3FA1] =	sst s6  }
0xf: {  	[smem:$0x3FA2] =	sst s7  }
0x10: {  	[smem:$0x3FA3] =	sst s8  }
0x11: {  	[smem:$0x3FA4] =	sst s9;
	s0 =	simm.s32 @!p0 $0x0  }
0x12: {  	s1 =	sld [smem:$0x3F8A];
	s0 =	simm.s32 @p0 $0x1  }
0x13: {  	[smem:$0x3FA5] =	sst s0;
	s0 =	simm.s32 @!p1 $0x0  }
0x14: {  	s2 =	sld [smem:$0x3F89];
	s0 =	simm.s32 @p1 $0x1  }
0x15: {  	[smem:$0x3FA6] =	sst s0;
	s0 =	simm.s32 @!p2 $0x0  }
0x16: {  	s3 =	sld [smem:$0x3FDB];
	s0 =	simm.s32 @p2 $0x1  }
0x17: {  	s4 =	simm.s32 $0x1BF5;
	[smem:$0x3FA8] =	sst s0  }
0x18: {  	s0 =	sld [smem:$0x3F8B];
	_ =	swait.ge [sflag:s4], $0x0  }
0x19: {  	s7 =	sld [smem:$0x3F8C]  }
0x1a: {  	s8 =	sadd.s32 $0xFFFFE003, lr  }
0x1b: {  	s9 =	sadd.s32 $0xFFFFFEF7, lr;
	s5 =	simm.s32 $0xFFFFFFFF;
	p2 =	slt.u32 s8, $0xFFFFF086  }
0x1c: {  	p1 =	slt.u32 s9, $0xF7A;
	s5 =	simm.s32 @!p2 $0x0  }
0x1d: {  	s5 =	simm.s32 @p1 $0x1;
	p0 =	seq.s32 s7, s2  }
0x1e: {  	s7 =	smul.u32 @!p0 $0xF7A, s2;
	p2 =	seq.s32 @!p0 s5, $0x0  }
0x1f: {  	s9 =	smul.u32 $0xF7A, s1;
	s8 =	simm.s32 @!p0 $0x1BF5;
	p2 =	por !p2, p0  }
0x20: {  	[sflag:s8] =	ssyncset.s32 @!p0 $0xFFFFF086;
	s6 =	sadd.s32 @!p0 s3, s7;
	s7 =	simm.s32 @!p0 $0x108  }
0x21: {  	s3 =	sadd.s32 s3, s9;
	s6 =	sadd.s32 @!p0 $0x88, s6;
	s7 =	simm.s32 @p2 $0x1082  }
0x22: {  	[simem:s7], [sflag:s8] =	dma.local @!p0 [hbm:s6], $0xF7A  }
0x23: {  	s9 =	sor.u32 $0xD0000000, s2;
	s6 =	simm.s32 $0x108;
	_ =	swait.ge @!p0 [sflag:s8], $0x0  }
0x24: {  	s3 =	sadd.s32 $0x88, s3;
	s6 =	simm.s32 @!p1 $0x1082;
	[sflag:s4] =	ssyncset.s32 $0xFFFFF086  }
0x25: {  	[simem:s6], [sflag:s4] =	dma.local [hbm:s3], $0xF7A  }
0x26: {  	[smem:$0x3F8C] =	sst s1;
	(tag) =	ssettag s2;
	_ =	strace s9  }
0x27: {  	s1 =	sld [smem:$0x3F9C]  }
0x28: {  	s2 =	sld [smem:$0x3F9D]  }
0x29: {  	s4 =	sld [smem:$0x3F9F]  }
0x2a: {  	p0 =	seq.s32 s5, $0x0;
	s5 =	sld [smem:$0x3FA0]  }
0x2b: {  	s6 =	sld [smem:$0x3FA1]  }
0x2c: {  	s7 =	sld [smem:$0x3FA2]  }
0x2d: {  	s3 =	simm.s32 $0x108;
	s8 =	sld [smem:$0x3FA3]  }
0x2e: {  	s3 =	simm.s32 @!p0 $0x1082;
	s9 =	sld [smem:$0x3FA4]  }
0x2f: {  	lr =	sadd.s32 s0, s3;
	s0 =	sld [smem:$0x3F9B]  }
0x30: {  	s3 =	sld [smem:$0x3F9E]  }
0x31: {  	[smem:$0x3FA7] =	sst s10  }
0x32: {  	s10 =	sld [smem:$0x3FA5];
	_ =	sdelay $0x3  }
0x33: {  	p0 =	seq.s32 s10, $0x1;
	s10 =	sld [smem:$0x3FA7];
	_ =	sdelay $0x3  }
0x34: {  	[smem:$0x3FA7] =	sst s10  }
0x35: {  	s10 =	sld [smem:$0x3FA6];
	_ =	sdelay $0x3  }
0x36: {  	p1 =	seq.s32 s10, $0x1;
	s10 =	sld [smem:$0x3FA7];
	_ =	sdelay $0x3  }
0x37: {  	[smem:$0x3FA7] =	sst s10  }
0x38: {  	s10 =	sld [smem:$0x3FA8]  }
0x39: {  	_ = 	snop;
	(pc) =	sbr.ind lr, $3  }
0x3a: {  	_ = 	snop  }
0x3b: {  	_ = 	snop  }
0x3c: {  	p2 =	seq.s32 s10, $0x1;
	s10 =	sld [smem:$0x3FA7]  }
0x3d: {  	_ =	shalt  }
0x3e: {  	_ =	shalt  }
0x3f: {  	_ =	shalt  }
0x40: {  	_ =	shalt  }
0x41: {  	_ =	shalt  }
0x42: {  	_ =	shalt  }
0x43: {  	_ =	shalt  }
0x44: {  	_ =	shalt  }
0x45: {  	_ =	shalt  }
0x46: {  	_ =	shalt  }
0x47: {  	_ =	shalt  }
0x48: {  	_ =	shalt  }
0x49: {  	_ =	shalt  }
0x4a: {  	_ =	shalt  }
0x4b: {  	_ =	shalt  }
0x4c: {  	_ =	shalt  }
0x4d: {  	_ =	shalt  }
0x4e: {  	_ =	shalt  }
0x4f: {  	_ =	shalt  }
0x50: {  	_ =	shalt  }
0x51: {  	_ =	shalt  }
0x52: {  	_ =	shalt  }
0x53: {  	_ =	shalt  }
0x54: {  	_ =	shalt  }
0x55: {  	_ =	shalt  }
0x56: {  	_ =	shalt  }
0x57: {  	_ =	shalt  }
0x58: {  	_ =	shalt  }
0x59: {  	_ =	shalt  }
0x5a: {  	_ =	shalt  }
0x5b: {  	_ =	shalt  }
0x5c: {  	_ =	shalt  }
0x5d: {  	_ =	shalt  }
0x5e: {  	_ =	shalt  }
0x5f: {  	_ =	shalt  }
0x60: {  	_ =	shalt  }
0x61: {  	_ =	shalt  }
0x62: {  	_ =	shalt  }
0x63: {  	_ =	shalt  }
0x64: {  	_ =	shalt  }
0x65: {  	_ =	shalt  }
0x66: {  	_ =	shalt  }
0x67: {  	_ =	shalt  }
0x68: {  	_ =	shalt  }
0x69: {  	_ =	shalt  }
0x6a: {  	_ =	shalt  }
0x6b: {  	_ =	shalt  }
0x6c: {  	_ =	shalt  }
0x6d: {  	_ =	shalt  }
0x6e: {  	_ =	shalt  }
0x6f: {  	_ =	shalt  }
0x70: {  	_ =	shalt  }
0x71: {  	_ =	shalt  }
0x72: {  	_ =	shalt  }
0x73: {  	_ =	shalt  }
0x74: {  	_ =	shalt  }
0x75: {  	_ =	shalt  }
0x76: {  	_ =	shalt  }
0x77: {  	_ =	shalt  }
0x78: {  	_ =	shalt  }
0x79: {  	_ =	shalt  }
0x7a: {  	_ =	shalt  }
0x7b: {  	_ =	shalt  }
0x7c: {  	_ =	shalt  }
0x7d: {  	_ =	shalt  }
0x7e: {  	_ =	shalt  }
0x7f: {  	_ =	shalt  }
0x80: {  	_ =	shalt  }
0x81: {  	_ =	shalt  }
0x82: {  	_ =	shalt  }
0x83: {  	_ =	shalt  }
0x84: {  	_ =	shalt  }
0x85: {  	_ =	shalt  }
0x86: {  	_ =	shalt  }
0x87: {  	_ =	shalt  }
.Lfunc_end0:
.L_simem_size_0:
called_computation.1_lowered:
.L_overlay_start_0:
0x88: {  	s2 =	sld [smem:$0x3FD9]  }
0x89: {  	s3 =	sld [smem:$0x3FFE];
	_ =	sdelay $0x1  }
0x8a: {  	s1 =	srdreg.scid  }
0x8b: {  	s0 =	sand.u32 $0x1, s1  }
0x8c: {  	s16 =	sshll.u32 s0, $0xA;
	s2 =	sadd.s32 s3, s2  }
0x8d: {  	s2 =	sadd.s32 s2, s16  }
0x8e: {  	[smem:$0x3FB3] =	sst s2  }
0x8f: {  	_ = 	snop  }
0x90: {  	(tm) =	ssettm $0x1  }
0x91: {  	s17 =	sld [smem:$0x3FFB];
	_ =	sdelay $0x3  }
0x92: {  	_ =	strace s17  }
0x93: {  	s2 =	sld [smem:$0x3FFC];
	_ =	sdelay $0x3  }
0x94: {  	_ =	strace s2  }
0x95: {  	s2 =	sld [smem:$0x3FFD];
	_ =	sdelay $0x3  }
0x96: {  	_ =	strace s2  }
0x97: {  	_ =	strace $0x8FFFFFFF  }
0x98: {  	s18 =	sld [smem:$0x3FDB];
	_ =	sdelay $0x1  }
0x99: {  	s19 =	simm.s32 $_scs_section_size  }
0x9a: {  	s4 =	simm.s32 $_size__tile_overlayer_lowered;
	s5 =	simm.s32 $_tile_overlayer_lowered  }
0x9b: {  	s22 =	simm.s32 $0x1BFF;
	s21 =	sshll.u32 s5, $0x1;
	s2 =	sadd.s32 s19, s18  }
0x9c: {  	s6 =	simm.s32 $0x0;
	s20 =	sshll.u32 s4, $0x1;
	s4 =	sadd.s32 s21, s2  }
0x9d: {  	[timem:s6], [sflag:s22] =	dma.local [hbm:s4], s20  }
0x9e: {  	_ =	swait.ge [sflag:s22], s20  }
0x9f: {  	s3 =	ssub.s32 $0x0, s20;
	[sflag:s22] =	ssyncset.done $0x0  }
0xa0: {  	[sflag:s22] =	ssyncadd.s32 s3;
	_ =	sdelay $0x1  }
0xa1: {  	s23 =	simm.s32 $0x1B8B  }
0xa2: {  	_ =	swait.ge [sflag:s23], $0x1  }
0xa3: {  	[sflag:s23] =	ssyncset.done $0x0  }
0xa4: {  	s25 =	simm.s32 $0x1B8E;
	s24 =	sld [smem:$0x3FFE];
	[sflag:s23] =	ssyncadd.s32 $0xFFFFFFFF  }
0xa5: {  	s26 =	simm.s32 $execute0_lowered;
	[smem:$0x3FD2] =	sst s25  }
0xa6: {  	s4 =	sshll.u32 s26, $0x1;
	_ =	strace $0x80000049;
	[dreg:$0x1] =	wrdreg $0xFFFFFFFF  }
0xa7: {  	s28 =	simm.s32 $_size_execute0_lowered;
	s2 =	sadd.s32 s2, s4;
	[dreg:$0x0] =	wrdreg $0x0  }
0xa8: {  	s4 =	sshll.u32 s28, $0x1;
	[dreg:$0x2] =	wrdreg s2  }
0xa9: {  	[dreg:$0x3] =	wrdreg s4  }
0xaa: {  	[dreg:$0x4] =	wrdreg $0xC0  }
0xab: {  	_ =	task [dreg:s6], $0x5FFFF  }
0xac: {  	[dreg:$0x1] =	wrdreg $0xFFFFFFFF  }
0xad: {  	[dreg:$0x0] =	wrdreg $0x60  }
0xae: {  	[dreg:$0x2] =	wrdreg s24  }
0xaf: {  	[dreg:$0x3] =	wrdreg $0x29000  }
0xb0: {  	[dreg:$0x4] =	wrdreg $0x9  }
0xb1: {  	_ =	task.clear_ibuf [dreg:s6], $0x5FFFF;
	_ =	strace $0x90000049  }
0xb2: {  	s29 =	simm.s32 $0x9;
	_ =	strace $0x8000004B  }
0xb3: {  	_ =	swait.ge [sflag:s29], $0x1  }
0xb4: {  	[sflag:s29] =	ssyncadd.s32 $0xFFFFFFFF  }
0xb5: {  	_ =	strace $0x9000004B  }
0xb6: {  	_ =	sfence  }
0xb7: {  	s30 =	sld [smem:$0x0];
	_ =	sdelay $0x2  }
0xb8: {  	s31 =	sshll.u32 s1, $0xD;
	s1 =	sshrl.u32 s1, $0x2  }
0xb9: {  	s3 =	sand.u32 $0x4000, s31;
	s1 =	sadd.s32 s1, s30  }
0xba: {  	s0 =	sor.u32 s3, s0;
	s1 =	sshll.u32 s1, $0x11  }
0xbb: {  	s0 =	sor.u32 s1, s0  }
0xbc: {  	s0 =	sadd.s32 $0x8F2B, s0  }
0xbd: {  	[sflag:s0] =	ssyncadd.remote.s32 $0x1  }
0xbe: {  	_ =	sfence.sel $0xFFFF  }
0xbf: {  	[dreg:$0x0] =	wrdreg $0xFFFFFFFF;
	(pc) =	sbr.abs _section_cstart, $3  }
0xc0: {  	[dreg:$0x1] =	wrdreg $0xFFFFFFFF  }
0xc1: {  	_ =	task.clear_ibuf [dreg:s6], $0x2FFFF;
	_ =	strace $0x9FFFFFFF  }
0xc2: {  	(tm) =	ssettm $0x7FFFFFFF  }
0xc3: {  	_ =	shalt  }
tec
execute0_lowered:
.L_overlay_start_1:
0x0: {  	(tag) =	ssettag $0x1  }
0x1: {  	s6 =	rddreg [dreg:$0x0];
	s1 =	srdreg.scid  }
0x2: {  	s0 =	stileid.u32;
	s2 =	rddreg [dreg:$0x1]  }
0x3: {  	s3 =	simm.s32 $0x0;
	s15 =	simm.s32 $0x50;
	s16 =	simm.s32 $0x100  }
0x4: {  	s17 =	simm.s32 $0x1;
	s18 =	simm.s32 $0x80;
	s4 =	smul.u32 $0x4E20, s0  }
0x5: {  	s5 =	sand.u32 $0x1, s1;
	s1 =	rddreg [dreg:$0x2];
	s8 =	smul.u32 $0x4E000, s0  }
0x6: {  	s19 =	simm.s32 $0x0;
	[smem:$0x7FF] =	sst s3;
	s11 =	smul.u32 $0x13800, s0  }
0x7: {  	s12 =	sadd.s32 $0x40C00, s6;
	p0 =	seq.s32 s0, $0xF;
	s7 =	smul.u32 $0x2710, s5  }
0x8: {  	_ =	strace $0x8000004A;
	s9 =	smul.u32 $0x138800, s5;
	s25 =	ssub.s32 $0x2, s5  }
0x9: {  	s5 =	sadd.s32 $0x3E400, s6;
	s26 =	sshrl.u32 s25, $0x1;
	s28 =	sshrl.u32 s8, $0x2  }
0xa: {  	s7 =	sadd.s32 s7, s4;
	s4 =	sadd.s32 $0x17200, s6;
	s13 =	ssub.s32 s25, s26  }
0xb: {  	s29 =	sadd.s32 s11, s9;
	s14 =	sadd.s32 s28, s2;
	s31 =	sshrl.u32 s9, $0x3  }
0xc: {  	s11 =	sadd.s32 $0x124800, s2;
	s7 =	sshrl.u32 s7, $0x3;
	s30 =	sshrl.u32 s29, $0x3  }
0xd: {  	s8 =	smax.u32 s13, $0x1;
	s11 =	sshrl.u32 @p0 s11, $0x3;
	s13 =	sshrl.u32 @!p0 s14, $0x3  }
0xe: {  	s14 =	simm.s32 $0x2;
	s10 =	sadd.s32 s7, s6;
	s7 =	sadd.s32 s12, s31  }
0xf: {  	s6 =	sadd.s32 s12, s30;
	s12 =	sshll.u32 @!p0 s0, $0x6;
	s7 =	sadd.s32 $0x24900, s7  }
0x10: {  	s9 =	sadd.s32 $0xD400, s10;
	s10 =	sadd.s32 $0x3600, s10;
	s12 =	sor.u32 @!p0 $0x1C02, s12  }
.LBB2_1:
0x11: {  	s20 =	simm.s32 @p0 $0x1FC2  }
0x12: {  	[spmem:s11], [sflag:s20] =	dma.local @p0 [hbm:s5], $0x2800  }
0x13: {  	s20 =	simm.s32 @p0 $0x2  }
0x14: {  	_ =	swait.ge @p0 [sflag:s20], $0x2800  }
0x15: {  	[sflag:s20] =	ssyncset.done @p0 $0x0  }
0x16: {  	[sflag:s20] =	ssyncadd.s32 @p0 $0xFFFFD800;
	s20 =	simm.s32 @!p0 $0x2  }
0x17: {  	[spmem:s13], [sflag:s12] =	dma.local @!p0 [hbm:s5], $0x2700  }
0x18: {  	_ =	swait.ge @!p0 [sflag:s20], $0x2700  }
0x19: {  	[sflag:s20] =	ssyncset.done @!p0 $0x0  }
0x1a: {  	[sflag:s20] =	ssyncadd.s32 @!p0 $0xFFFFD900  }
0x1b: {  	s30 =	sadd.s32 $0x0, s10;
	[bflag:$0x0] =	sbarrier.arrive $0xFFFF  }
0x1c: {  	[tilespmem:s3], [sflag:$0x2] =	stream.linear.gather [hbm4b:s30+s3], $0x50, $0x38;
	[tilespmem:$0x16180] =	vst v63  }
0x1d: {  	_ =	swait.ge [sflag:s14], $0x50  }
0x1e: {  	[sflag:s14] =	ssyncset.done $0x0  }
0x1f: {  	[sflag:s14] =	ssyncadd.s32 $0xFFFFFFB0  }
0x20: {  	[tilespmem:s16], [sflag:$0x1] =	stream.indirect.gather [hbm4b:s4+s15], $0x80, s3, s15, $0xb8;
	[tilespmem:$0x16180] =	vst v63  }
0x21: {  	_ =	swait.ge [sflag:s17], $0x2800  }
0x22: {  	[sflag:s17] =	ssyncset.done $0x0  }
0x23: {  	s31 =	sadd.s32 $0x0, s9;
	[sflag:s17] =	ssyncadd.s32 $0xFFFFD800  }
0x24: {  	[tilespmem:s18], [sflag:$0x2] =	stream.linear.gather [hbm4b:s31+s3], $0x50, $0x38;
	[tilespmem:$0x16180] =	vst v63  }
0x25: {  	_ =	swait.ge [sflag:s14], $0x50  }
0x26: {  	[sflag:s14] =	ssyncset.done $0x0  }
0x27: {  	[sflag:s14] =	ssyncadd.s32 $0xFFFFFFB0  }
0x28: {  	[spmem:s2] =	stream.indirect.scatter.add.f32 [tilespmem:s16], [sflag:$0x2], $0x80, s18, s15, $0xb8;
	[tilespmem:$0x16180] =	vst v63  }
0x29: {  	_ =	swait.ge [sflag:s14], $0x2800  }
0x2a: {  	s21 =	simm.s32 $0x14;
	s20 =	simm.s32 $0xA;
	[sflag:s14] =	ssyncset.done $0x0  }
.LBB2_2:
0x2b: {  	s22 =	sadd.s32 s20, s10  }
0x2c: {  	[sflag:s14] =	ssyncadd.s32 $0xFFFFD800;
	s23 =	smov.u32 s21;
	s24 =	sadd.s32 $0xA, s21  }
0x2d: {  	[tilespmem:s3], [sflag:$0x2] =	stream.linear.gather [hbm4b:s22+s3], $0x50, $0x38;
	[tilespmem:$0x16180] =	vst v63  }
0x2e: {  	p1 =	sne.s32 s21, $0x4D8;
	_ =	swait.ge [sflag:s14], $0x50  }
0x2f: {  	[sflag:s14] =	ssyncset.done $0x0  }
0x30: {  	[sflag:s14] =	ssyncadd.s32 $0xFFFFFFB0  }
0x31: {  	[tilespmem:s16], [sflag:$0x1] =	stream.indirect.gather [hbm4b:s4+s15], $0x80, s3, s15, $0xb8;
	[tilespmem:$0x16180] =	vst v63  }
0x32: {  	_ =	swait.ge [sflag:s17], $0x2800  }
0x33: {  	[sflag:s17] =	ssyncset.done $0x0  }
0x34: {  	s21 =	sadd.s32 s20, s9;
	s20 =	smov.u32 s23;
	[sflag:s17] =	ssyncadd.s32 $0xFFFFD800  }
0x35: {  	[tilespmem:s18], [sflag:$0x2] =	stream.linear.gather [hbm4b:s21+s3], $0x50, $0x38;
	[tilespmem:$0x16180] =	vst v63  }
0x36: {  	_ =	swait.ge [sflag:s14], $0x50  }
.Ltmp0:
0x37: {  	[sflag:s14] =	ssyncset.done $0x0;
	(pc) =	sbr.rel @p1 .LBB2_2-.Ltmp0, $4  }
0x38: {  	[sflag:s14] =	ssyncadd.s32 $0xFFFFFFB0  }
0x39: {  	[spmem:s2] =	stream.indirect.scatter.add.f32 [tilespmem:s16], [sflag:$0x2], $0x80, s18, s15, $0xb8;
	[tilespmem:$0x16180] =	vst v63  }
0x3a: {  	_ =	swait.ge [sflag:s14], $0x2800  }
0x3b: {  	s21 =	smov.u32 s24;
	[sflag:s14] =	ssyncset.done $0x0  }
0x3c: {  	s21 =	sadd.s32 s20, s10;
	[sflag:s14] =	ssyncadd.s32 $0xFFFFD800  }
0x3d: {  	[tilespmem:s3], [sflag:$0x2] =	stream.linear.gather [hbm4b:s21+s3], $0x50, $0x38;
	[tilespmem:$0x16180] =	vst v63  }
0x3e: {  	_ =	swait.ge [sflag:s14], $0x50  }
0x3f: {  	[sflag:s14] =	ssyncset.done $0x0  }
0x40: {  	[sflag:s14] =	ssyncadd.s32 $0xFFFFFFB0  }
0x41: {  	[tilespmem:s16], [sflag:$0x1] =	stream.indirect.gather [hbm4b:s4+s15], $0x80, s3, s15, $0xb8;
	[tilespmem:$0x16180] =	vst v63  }
0x42: {  	_ =	swait.ge [sflag:s17], $0x2800  }
0x43: {  	[sflag:s17] =	ssyncset.done $0x0  }
0x44: {  	s31 =	sadd.s32 s20, s9;
	[sflag:s17] =	ssyncadd.s32 $0xFFFFD800  }
0x45: {  	[tilespmem:s18], [sflag:$0x2] =	stream.linear.gather [hbm4b:s31+s3], $0x50, $0x38;
	[tilespmem:$0x16180] =	vst v63  }
0x46: {  	_ =	swait.ge [sflag:s14], $0x50  }
0x47: {  	[sflag:s14] =	ssyncset.done $0x0  }
0x48: {  	[sflag:s14] =	ssyncadd.s32 $0xFFFFFFB0  }
0x49: {  	[spmem:s2] =	stream.indirect.scatter.add.f32 [tilespmem:s16], [sflag:$0x2], $0x80, s18, s15, $0xb8;
	[tilespmem:$0x16180] =	vst v63  }
0x4a: {  	_ =	swait.ge [sflag:s14], $0x2800  }
0x4b: {  	[sflag:s14] =	ssyncset.done $0x0  }
0x4c: {  	[sflag:s14] =	ssyncadd.s32 $0xFFFFD800  }
0x4d: {  	s20 =	simm.s32 @p0 $0x1FC2;
	[bflag:$0x0] =	sbarrier.arrive $0xFFFF  }
0x4e: {  	[hbm:s7], [sflag:s20] =	dma.local @p0 [spmem:s11], $0x2800  }
0x4f: {  	s20 =	simm.s32 @p0 $0x2  }
0x50: {  	s19 =	sadd.s32 $0x1, s19;
	_ =	swait.ge @p0 [sflag:s20], $0x2800  }
0x51: {  	p1 =	sne.s32 s19, s8;
	[sflag:s20] =	ssyncset.done @p0 $0x0  }
.Ltmp1:
0x52: {  	[sflag:s20] =	ssyncadd.s32 @p0 $0xFFFFD800;
	s20 =	simm.s32 @!p0 $0x2;
	(pc) =	sbr.rel @p1 .LBB2_1-.Ltmp1, $4  }
0x53: {  	[hbm:s6], [sflag:s12] =	dma.local @!p0 [spmem:s13], $0x2700  }
0x54: {  	_ =	swait.ge @!p0 [sflag:s20], $0x2700  }
0x55: {  	[sflag:s20] =	ssyncset.done @!p0 $0x0  }
0x56: {  	[sflag:s20] =	ssyncadd.s32 @!p0 $0xFFFFD900  }
0x57: {  	_ =	sfence.sel $0x180000  }
0x58: {  	[bflag:$0x0] =	sbarrier.arrive $0xFFFF  }
0x59: {  	p0 =	sne.s32 s0, $0x0;
	_ =	strace $0x9000004A  }
0x5a: {  	s0 =	sadd.s32 @!p0 $0x100000, s1;
	[bflag:$0x2] =	sbarrier.arrive $0xFFFF  }
0x5b: {  	[sflag:s0] =	ssyncadd.tile.s32 @!p0 $0x1;
	_ =	shalt  }
.Lfunc_end2:
_tile_overlayer_lowered:
.L_overlay_start_2:
0x5c: {  	(tag) =	ssettag $0x2  }
0x5d: {  	s0 =	rddreg [dreg:$0x0];
	s2 =	stileid.u32  }
0x5e: {  	s1 =	rddreg [dreg:$0x1];
	p0 =	sne.s32 s2, $0x0  }
0x5f: {  	s3 =	rddreg [dreg:$0x2];
	[bflag:$0x3] =	sbarrier.arrive $0xFFFF;
	s2 =	simm.s32 @!p0 $0x1C02  }
0x60: {  	[timem:s3], [sflag:s2] =	dma.local @!p0 [hbm:s0], s1  }
0x61: {  	s0 =	simm.s32 @!p0 $0x2  }
0x62: {  	_ =	swait.ge @!p0 [sflag:s0], s1  }
0x63: {  	s1 =	ssub.s32 @!p0 $0x0, s1;
	[sflag:s0] =	ssyncset.done @!p0 $0x0  }
0x64: {  	[sflag:s0] =	ssyncadd.s32 @!p0 s1  }
0x65: {  	[bflag:$0x3] =	sbarrier.arrive $0xFFFF  }
0x66: {  	_ =	shalt  }

// kernel: kernel.15.cloned.1.call-start
scs
__scs_entry_jumppad:
0x0: {  	(pc) =	sbr.rel $0x88, $3  }
0x1: {  	(tag) =	ssettag $0x0;
	lr =	simm.s32 $0x1  }
0x2: {  	[smem:$0x3F8C] =	sst lr;
	_ =	strace $0xD0000000  }
0x3: {  	_ = 	snop  }
0x4: {  	_ = 	snop  }
0x5: {  	_ = 	snop  }
0x6: {  	_ = 	snop  }
0x7: {  	_ = 	snop  }
__scs_overlays_trampoline_lowered:
0x8: {  	[smem:$0x3F9B] =	sst s0  }
0x9: {  	[smem:$0x3F9C] =	sst s1  }
0xa: {  	[smem:$0x3F9D] =	sst s2  }
0xb: {  	[smem:$0x3F9E] =	sst s3  }
0xc: {  	[smem:$0x3F9F] =	sst s4  }
0xd: {  	[smem:$0x3FA0] =	sst s5  }
0xe: {  	[smem:$0x3FA1] =	sst s6  }
0xf: {  	[smem:$0x3FA2] =	sst s7  }
0x10: {  	[smem:$0x3FA3] =	sst s8  }
0x11: {  	[smem:$0x3FA4] =	sst s9;
	s0 =	simm.s32 @!p0 $0x0  }
0x12: {  	s1 =	sld [smem:$0x3F8A];
	s0 =	simm.s32 @p0 $0x1  }
0x13: {  	[smem:$0x3FA5] =	sst s0;
	s0 =	simm.s32 @!p1 $0x0  }
0x14: {  	s2 =	sld [smem:$0x3F89];
	s0 =	simm.s32 @p1 $0x1  }
0x15: {  	[smem:$0x3FA6] =	sst s0;
	s0 =	simm.s32 @!p2 $0x0  }
0x16: {  	s3 =	sld [smem:$0x3FDB];
	s0 =	simm.s32 @p2 $0x1  }
0x17: {  	s4 =	simm.s32 $0x1BF5;
	[smem:$0x3FA8] =	sst s0  }
0x18: {  	s0 =	sld [smem:$0x3F8B];
	_ =	swait.ge [sflag:s4], $0x0  }
0x19: {  	s7 =	sld [smem:$0x3F8C]  }
0x1a: {  	s8 =	sadd.s32 $0xFFFFE003, lr  }
0x1b: {  	s9 =	sadd.s32 $0xFFFFFEF7, lr;
	s5 =	simm.s32 $0xFFFFFFFF;
	p2 =	slt.u32 s8, $0xFFFFF086  }
0x1c: {  	p1 =	slt.u32 s9, $0xF7A;
	s5 =	simm.s32 @!p2 $0x0  }
0x1d: {  	s5 =	simm.s32 @p1 $0x1;
	p0 =	seq.s32 s7, s2  }
0x1e: {  	s7 =	smul.u32 @!p0 $0xF7A, s2;
	p2 =	seq.s32 @!p0 s5, $0x0  }
0x1f: {  	s9 =	smul.u32 $0xF7A, s1;
	s8 =	simm.s32 @!p0 $0x1BF5;
	p2 =	por !p2, p0  }
0x20: {  	[sflag:s8] =	ssyncset.s32 @!p0 $0xFFFFF086;
	s6 =	sadd.s32 @!p0 s3, s7;
	s7 =	simm.s32 @!p0 $0x108  }
0x21: {  	s3 =	sadd.s32 s3, s9;
	s6 =	sadd.s32 @!p0 $0x88, s6;
	s7 =	simm.s32 @p2 $0x1082  }
0x22: {  	[simem:s7], [sflag:s8] =	dma.local @!p0 [hbm:s6], $0xF7A  }
0x23: {  	s9 =	sor.u32 $0xD0000000, s2;
	s6 =	simm.s32 $0x108;
	_ =	swait.ge @!p0 [sflag:s8], $0x0  }
0x24: {  	s3 =	sadd.s32 $0x88, s3;
	s6 =	simm.s32 @!p1 $0x1082;
	[sflag:s4] =	ssyncset.s32 $0xFFFFF086  }
0x25: {  	[simem:s6], [sflag:s4] =	dma.local [hbm:s3], $0xF7A  }
0x26: {  	[smem:$0x3F8C] =	sst s1;
	(tag) =	ssettag s2;
	_ =	strace s9  }
0x27: {  	s1 =	sld [smem:$0x3F9C]  }
0x28: {  	s2 =	sld [smem:$0x3F9D]  }
0x29: {  	s4 =	sld [smem:$0x3F9F]  }
0x2a: {  	p0 =	seq.s32 s5, $0x0;
	s5 =	sld [smem:$0x3FA0]  }
0x2b: {  	s6 =	sld [smem:$0x3FA1]  }
0x2c: {  	s7 =	sld [smem:$0x3FA2]  }
0x2d: {  	s3 =	simm.s32 $0x108;
	s8 =	sld [smem:$0x3FA3]  }
0x2e: {  	s3 =	simm.s32 @!p0 $0x1082;
	s9 =	sld [smem:$0x3FA4]  }
0x2f: {  	lr =	sadd.s32 s0, s3;
	s0 =	sld [smem:$0x3F9B]  }
0x30: {  	s3 =	sld [smem:$0x3F9E]  }
0x31: {  	[smem:$0x3FA7] =	sst s10  }
0x32: {  	s10 =	sld [smem:$0x3FA5];
	_ =	sdelay $0x3  }
0x33: {  	p0 =	seq.s32 s10, $0x1;
	s10 =	sld [smem:$0x3FA7];
	_ =	sdelay $0x3  }
0x34: {  	[smem:$0x3FA7] =	sst s10  }
0x35: {  	s10 =	sld [smem:$0x3FA6];
	_ =	sdelay $0x3  }
0x36: {  	p1 =	seq.s32 s10, $0x1;
	s10 =	sld [smem:$0x3FA7];
	_ =	sdelay $0x3  }
0x37: {  	[smem:$0x3FA7] =	sst s10  }
0x38: {  	s10 =	sld [smem:$0x3FA8]  }
0x39: {  	_ = 	snop;
	(pc) =	sbr.ind lr, $3  }
0x3a: {  	_ = 	snop  }
0x3b: {  	_ = 	snop  }
0x3c: {  	p2 =	seq.s32 s10, $0x1;
	s10 =	sld [smem:$0x3FA7]  }
0x3d: {  	_ =	shalt  }
0x3e: {  	_ =	shalt  }
0x3f: {  	_ =	shalt  }
0x40: {  	_ =	shalt  }
0x41: {  	_ =	shalt  }
0x42: {  	_ =	shalt  }
0x43: {  	_ =	shalt  }
0x44: {  	_ =	shalt  }
0x45: {  	_ =	shalt  }
0x46: {  	_ =	shalt  }
0x47: {  	_ =	shalt  }
0x48: {  	_ =	shalt  }
0x49: {  	_ =	shalt  }
0x4a: {  	_ =	shalt  }
0x4b: {  	_ =	shalt  }
0x4c: {  	_ =	shalt  }
0x4d: {  	_ =	shalt  }
0x4e: {  	_ =	shalt  }
0x4f: {  	_ =	shalt  }
0x50: {  	_ =	shalt  }
0x51: {  	_ =	shalt  }
0x52: {  	_ =	shalt  }
0x53: {  	_ =	shalt  }
0x54: {  	_ =	shalt  }
0x55: {  	_ =	shalt  }
0x56: {  	_ =	shalt  }
0x57: {  	_ =	shalt  }
0x58: {  	_ =	shalt  }
0x59: {  	_ =	shalt  }
0x5a: {  	_ =	shalt  }
0x5b: {  	_ =	shalt  }
0x5c: {  	_ =	shalt  }
0x5d: {  	_ =	shalt  }
0x5e: {  	_ =	shalt  }
0x5f: {  	_ =	shalt  }
0x60: {  	_ =	shalt  }
0x61: {  	_ =	shalt  }
0x62: {  	_ =	shalt  }
0x63: {  	_ =	shalt  }
0x64: {  	_ =	shalt  }
0x65: {  	_ =	shalt  }
0x66: {  	_ =	shalt  }
0x67: {  	_ =	shalt  }
0x68: {  	_ =	shalt  }
0x69: {  	_ =	shalt  }
0x6a: {  	_ =	shalt  }
0x6b: {  	_ =	shalt  }
0x6c: {  	_ =	shalt  }
0x6d: {  	_ =	shalt  }
0x6e: {  	_ =	shalt  }
0x6f: {  	_ =	shalt  }
0x70: {  	_ =	shalt  }
0x71: {  	_ =	shalt  }
0x72: {  	_ =	shalt  }
0x73: {  	_ =	shalt  }
0x74: {  	_ =	shalt  }
0x75: {  	_ =	shalt  }
0x76: {  	_ =	shalt  }
0x77: {  	_ =	shalt  }
0x78: {  	_ =	shalt  }
0x79: {  	_ =	shalt  }
0x7a: {  	_ =	shalt  }
0x7b: {  	_ =	shalt  }
0x7c: {  	_ =	shalt  }
0x7d: {  	_ =	shalt  }
0x7e: {  	_ =	shalt  }
0x7f: {  	_ =	shalt  }
0x80: {  	_ =	shalt  }
0x81: {  	_ =	shalt  }
0x82: {  	_ =	shalt  }
0x83: {  	_ =	shalt  }
0x84: {  	_ =	shalt  }
0x85: {  	_ =	shalt  }
0x86: {  	_ =	shalt  }
0x87: {  	_ =	shalt  }
.Lfunc_end0:
.L_simem_size_0:
called_computation.2_lowered:
.L_overlay_start_0:
0x88: {  	s2 =	sld [smem:$0x3FD9]  }
0x89: {  	s3 =	sld [smem:$0x3FFE];
	_ =	sdelay $0x1  }
0x8a: {  	s1 =	srdreg.scid  }
0x8b: {  	s0 =	sand.u32 $0x1, s1  }
0x8c: {  	s16 =	sshll.u32 s0, $0xA;
	s2 =	sadd.s32 s3, s2  }
0x8d: {  	s2 =	sadd.s32 s2, s16  }
0x8e: {  	[smem:$0x3FB3] =	sst s2  }
0x8f: {  	_ = 	snop  }
0x90: {  	(tm) =	ssettm $0x1  }
0x91: {  	s17 =	sld [smem:$0x3FFB];
	_ =	sdelay $0x3  }
0x92: {  	_ =	strace s17  }
0x93: {  	s2 =	sld [smem:$0x3FFC];
	_ =	sdelay $0x3  }
0x94: {  	_ =	strace s2  }
0x95: {  	s2 =	sld [smem:$0x3FFD];
	_ =	sdelay $0x3  }
0x96: {  	_ =	strace s2  }
0x97: {  	_ =	strace $0x8FFFFFFF  }
0x98: {  	s18 =	sld [smem:$0x3FDB];
	_ =	sdelay $0x1  }
0x99: {  	s19 =	simm.s32 $_scs_section_size  }
0x9a: {  	s4 =	simm.s32 $_size__tile_overlayer_lowered;
	s5 =	simm.s32 $_tile_overlayer_lowered  }
0x9b: {  	s22 =	simm.s32 $0x1BFF;
	s21 =	sshll.u32 s5, $0x1;
	s2 =	sadd.s32 s19, s18  }
0x9c: {  	s6 =	simm.s32 $0x0;
	s20 =	sshll.u32 s4, $0x1;
	s4 =	sadd.s32 s21, s2  }
0x9d: {  	[timem:s6], [sflag:s22] =	dma.local [hbm:s4], s20  }
0x9e: {  	_ =	swait.ge [sflag:s22], s20  }
0x9f: {  	s3 =	ssub.s32 $0x0, s20;
	[sflag:s22] =	ssyncset.done $0x0  }
0xa0: {  	[sflag:s22] =	ssyncadd.s32 s3;
	_ =	sdelay $0x1  }
0xa1: {  	s23 =	simm.s32 $0x1B8B  }
0xa2: {  	_ =	swait.ge [sflag:s23], $0x1  }
0xa3: {  	[sflag:s23] =	ssyncset.done $0x0  }
0xa4: {  	s25 =	simm.s32 $0x1B8E;
	s24 =	sld [smem:$0x3FFE];
	[sflag:s23] =	ssyncadd.s32 $0xFFFFFFFF  }
0xa5: {  	s26 =	simm.s32 $execute0_lowered;
	[smem:$0x3FD2] =	sst s25  }
0xa6: {  	s4 =	sshll.u32 s26, $0x1;
	_ =	strace $0x8000004C;
	[dreg:$0x1] =	wrdreg $0xFFFFFFFF  }
0xa7: {  	s28 =	simm.s32 $_size_execute0_lowered;
	s2 =	sadd.s32 s2, s4;
	[dreg:$0x0] =	wrdreg $0x0  }
0xa8: {  	s4 =	sshll.u32 s28, $0x1;
	[dreg:$0x2] =	wrdreg s2  }
0xa9: {  	[dreg:$0x3] =	wrdreg s4  }
0xaa: {  	[dreg:$0x4] =	wrdreg $0xC0  }
0xab: {  	_ =	task [dreg:s6], $0x5FFFF  }
0xac: {  	[dreg:$0x1] =	wrdreg $0xFFFFFFFF  }
0xad: {  	[dreg:$0x0] =	wrdreg $0x60  }
0xae: {  	[dreg:$0x2] =	wrdreg s24  }
0xaf: {  	[dreg:$0x3] =	wrdreg $0x29000  }
0xb0: {  	[dreg:$0x4] =	wrdreg $0x9  }
0xb1: {  	_ =	task.clear_ibuf [dreg:s6], $0x5FFFF;
	_ =	strace $0x9000004C  }
0xb2: {  	s29 =	simm.s32 $0x9;
	_ =	strace $0x8000004E  }
0xb3: {  	_ =	swait.ge [sflag:s29], $0x1  }
0xb4: {  	[sflag:s29] =	ssyncadd.s32 $0xFFFFFFFF  }
0xb5: {  	_ =	strace $0x9000004E  }
0xb6: {  	_ =	sfence  }
0xb7: {  	s30 =	sld [smem:$0x0];
	_ =	sdelay $0x2  }
0xb8: {  	s31 =	sshll.u32 s1, $0xD;
	s1 =	sshrl.u32 s1, $0x2  }
0xb9: {  	s3 =	sand.u32 $0x4000, s31;
	s1 =	sadd.s32 s1, s30  }
0xba: {  	s0 =	sor.u32 s3, s0;
	s1 =	sshll.u32 s1, $0x11  }
0xbb: {  	s0 =	sor.u32 s1, s0  }
0xbc: {  	s0 =	sadd.s32 $0x8F2B, s0  }
0xbd: {  	[sflag:s0] =	ssyncadd.remote.s32 $0x1  }
0xbe: {  	_ =	sfence.sel $0xFFFF  }
0xbf: {  	[dreg:$0x0] =	wrdreg $0xFFFFFFFF;
	(pc) =	sbr.abs _section_cstart, $3  }
0xc0: {  	[dreg:$0x1] =	wrdreg $0xFFFFFFFF  }
0xc1: {  	_ =	task.clear_ibuf [dreg:s6], $0x2FFFF;
	_ =	strace $0x9FFFFFFF  }
0xc2: {  	(tm) =	ssettm $0x7FFFFFFF  }
0xc3: {  	_ =	shalt  }
tec
execute0_lowered:
.L_overlay_start_1:
0x0: {  	(tag) =	ssettag $0x1  }
0x1: {  	s7 =	rddreg [dreg:$0x0]  }
0x2: {  	s2 =	rddreg [dreg:$0x1]  }
0x3: {  	s0 =	rddreg [dreg:$0x2];
	s3 =	simm.s32 $0x0  }
0x4: {  	s1 =	stileid.u32;
	s5 =	srdreg.scid;
	s16 =	simm.s32 $0x50  }
0x5: {  	s17 =	simm.s32 $0x100;
	s18 =	simm.s32 $0x1;
	s19 =	simm.s32 $0x80  }
0x6: {  	[smem:$0x7FF] =	sst s3;
	s6 =	smul.u32 $0x9C4, s1;
	s4 =	sadd.s32 $0x40C00, s7  }
0x7: {  	s8 =	sand.u32 $0x1, s5;
	s9 =	smul.u32 $0x4E000, s1;
	s5 =	sadd.s32 $0x17200, s7  }
0x8: {  	s13 =	smul.u32 $0x13800, s1;
	s14 =	sadd.s32 $0x67E00, s7;
	p1 =	seq.s32 s1, $0xF  }
0x9: {  	s20 =	simm.s32 $0x0;
	_ =	strace $0x8000004D;
	s10 =	smul.u32 $0x138800, s8  }
0xa: {  	s12 =	ssub.s32 $0x2, s8;
	p0 =	seq.s32 s8, $0x1;
	s11 =	sadd.s32 s6, s7  }
0xb: {  	s6 =	sadd.s32 $0x3E400, s7;
	s28 =	sshrl.u32 s12, $0x1;
	s9 =	sshrl.u32 s9, $0x2  }
0xc: {  	s12 =	ssub.s32 s12, s28;
	s15 =	sadd.s32 s9, s2;
	s29 =	sadd.s32 s13, s10  }
.Ltmp0:
0xd: {  	s13 =	sadd.s32 $0x124800, s2;
	s30 =	sshrl.u32 s10, $0x3;
	(pc) =	sbr.rel .LBB2_1-.Ltmp0, $4  }
0xe: {  	s10 =	sadd.s32 $0xD400, s11;
	s11 =	sadd.s32 $0x3600, s11;
	s7 =	sshrl.u32 s29, $0x3  }
0xf: {  	s31 =	sadd.s32 s14, s30;
	s9 =	smax.u32 s12, $0x1;
	s12 =	sshrl.u32 @p1 s13, $0x3  }
0x10: {  	s7 =	sadd.s32 s14, s7;
	s8 =	sadd.s32 $0x24900, s31;
	s14 =	sshll.u32 @!p1 s1, $0x6  }
0x11: {  	s13 =	sor.u32 @!p1 $0x1C02, s14;
	s14 =	sshrl.u32 @!p1 s15, $0x3;
	s15 =	simm.s32 $0x2  }
.LBB2_7:
0x12: {  	s22 =	sadd.s32 s21, s11;
	[sflag:s15] =	ssyncadd.s32 $0xFFFFD800  }
0x13: {  	[tilespmem:s3], [sflag:$0x2] =	stream.linear.gather [hbm4b:s22+s3], $0x50, $0x38;
	[tilespmem:$0x16180] =	vst v63  }
0x14: {  	_ =	swait.ge [sflag:s15], $0x50  }
0x15: {  	[sflag:s15] =	ssyncset.done $0x0  }
0x16: {  	[sflag:s15] =	ssyncadd.s32 $0xFFFFFFB0  }
0x17: {  	[tilespmem:s17], [sflag:$0x1] =	stream.indirect.gather [hbm4b:s5+s16], $0x80, s3, s16, $0xb8;
	[tilespmem:$0x16180] =	vst v63  }
0x18: {  	_ =	swait.ge [sflag:s18], $0x2800  }
0x19: {  	[sflag:s18] =	ssyncset.done $0x0  }
0x1a: {  	s31 =	sadd.s32 s21, s10;
	[sflag:s18] =	ssyncadd.s32 $0xFFFFD800  }
0x1b: {  	[tilespmem:s19], [sflag:$0x2] =	stream.linear.gather [hbm4b:s31+s3], $0x50, $0x38;
	[tilespmem:$0x16180] =	vst v63  }
0x1c: {  	_ =	swait.ge [sflag:s15], $0x50  }
0x1d: {  	[sflag:s15] =	ssyncset.done $0x0  }
0x1e: {  	[sflag:s15] =	ssyncadd.s32 $0xFFFFFFB0  }
0x1f: {  	[spmem:s2] =	stream.indirect.scatter.add.f32 [tilespmem:s17], [sflag:$0x2], $0x80, s19, s16, $0xb8;
	[tilespmem:$0x16180] =	vst v63  }
0x20: {  	_ =	swait.ge [sflag:s15], $0x2800  }
0x21: {  	[sflag:s15] =	ssyncset.done $0x0  }
0x22: {  	[sflag:s15] =	ssyncadd.s32 $0xFFFFD800  }
.LBB2_8:
0x23: {  	[bflag:$0x0] =	sbarrier.arrive $0xFFFF;
	s21 =	simm.s32 @p1 $0x1FC2  }
0x24: {  	[hbm:s8], [sflag:s21] =	dma.local @p1 [spmem:s12], $0x2800  }
0x25: {  	s21 =	simm.s32 @p1 $0x2  }
0x26: {  	s20 =	sadd.s32 $0x1, s20;
	_ =	swait.ge @p1 [sflag:s21], $0x2800  }
0x27: {  	p2 =	sne.s32 s20, s9;
	[sflag:s21] =	ssyncset.done @p1 $0x0  }
.Ltmp1:
0x28: {  	[sflag:s21] =	ssyncadd.s32 @p1 $0xFFFFD800;
	s21 =	simm.s32 @!p1 $0x2;
	(pc) =	sbr.rel @!p2 .LBB2_9-.Ltmp1, $4  }
0x29: {  	[hbm:s7], [sflag:s13] =	dma.local @!p1 [spmem:s14], $0x2700  }
0x2a: {  	_ =	swait.ge @!p1 [sflag:s21], $0x2700  }
0x2b: {  	[sflag:s21] =	ssyncset.done @!p1 $0x0  }
0x2c: {  	[sflag:s21] =	ssyncadd.s32 @!p1 $0xFFFFD900  }
.LBB2_1:
0x2d: {  	s21 =	simm.s32 @p1 $0x1FC2  }
0x2e: {  	[spmem:s12], [sflag:s21] =	dma.local @p1 [hbm:s6], $0x2800  }
0x2f: {  	s21 =	simm.s32 @p1 $0x2  }
0x30: {  	_ =	swait.ge @p1 [sflag:s21], $0x2800  }
0x31: {  	[sflag:s21] =	ssyncset.done @p1 $0x0  }
0x32: {  	[sflag:s21] =	ssyncadd.s32 @p1 $0xFFFFD800;
	s21 =	simm.s32 @!p1 $0x2  }
0x33: {  	[spmem:s14], [sflag:s13] =	dma.local @!p1 [hbm:s6], $0x2700  }
.Ltmp2:
0x34: {  	_ =	swait.ge @!p1 [sflag:s21], $0x2700;
	(pc) =	sbr.rel @!p0 .LBB2_2-.Ltmp2, $4  }
0x35: {  	[sflag:s21] =	ssyncset.done @!p1 $0x0  }
0x36: {  	[sflag:s21] =	ssyncadd.s32 @!p1 $0xFFFFD900  }
0x37: {  	[bflag:$0x0] =	sbarrier.arrive $0xFFFF  }
0x38: {  	s21 =	sadd.s32 $0x0, s11  }
0x39: {  	[tilespmem:s3], [sflag:$0x2] =	stream.linear.gather [hbm4b:s21+s3], $0x50, $0x38;
	[tilespmem:$0x16180] =	vst v63  }
0x3a: {  	_ =	swait.ge [sflag:s15], $0x50  }
0x3b: {  	[sflag:s15] =	ssyncset.done $0x0  }
0x3c: {  	[sflag:s15] =	ssyncadd.s32 $0xFFFFFFB0  }
0x3d: {  	[tilespmem:s17], [sflag:$0x1] =	stream.indirect.gather [hbm4b:s5+s16], $0x80, s3, s16, $0xb8;
	[tilespmem:$0x16180] =	vst v63  }
0x3e: {  	_ =	swait.ge [sflag:s18], $0x2800  }
0x3f: {  	[sflag:s18] =	ssyncset.done $0x0  }
0x40: {  	s31 =	sadd.s32 $0x0, s10;
	[sflag:s18] =	ssyncadd.s32 $0xFFFFD800  }
0x41: {  	[tilespmem:s19], [sflag:$0x2] =	stream.linear.gather [hbm4b:s31+s3], $0x50, $0x38;
	[tilespmem:$0x16180] =	vst v63  }
0x42: {  	_ =	swait.ge [sflag:s15], $0x50  }
0x43: {  	[sflag:s15] =	ssyncset.done $0x0  }
0x44: {  	[sflag:s15] =	ssyncadd.s32 $0xFFFFFFB0  }
0x45: {  	[spmem:s2] =	stream.indirect.scatter.add.f32 [tilespmem:s17], [sflag:$0x2], $0x80, s19, s16, $0xb8;
	[tilespmem:$0x16180] =	vst v63  }
0x46: {  	_ =	swait.ge [sflag:s15], $0x2800  }
0x47: {  	s21 =	simm.s32 $0xA;
	s22 =	simm.s32 $0x14;
	[sflag:s15] =	ssyncset.done $0x0  }
.LBB2_6:
0x48: {  	s23 =	sadd.s32 s21, s11  }
0x49: {  	[sflag:s15] =	ssyncadd.s32 $0xFFFFD800;
	s24 =	smov.u32 s22;
	s25 =	sadd.s32 $0xA, s22  }
0x4a: {  	[tilespmem:s3], [sflag:$0x2] =	stream.linear.gather [hbm4b:s23+s3], $0x50, $0x38;
	[tilespmem:$0x16180] =	vst v63  }
0x4b: {  	p2 =	sne.s32 s22, $0x9BA;
	_ =	swait.ge [sflag:s15], $0x50  }
0x4c: {  	[sflag:s15] =	ssyncset.done $0x0  }
0x4d: {  	[sflag:s15] =	ssyncadd.s32 $0xFFFFFFB0  }
0x4e: {  	[tilespmem:s17], [sflag:$0x1] =	stream.indirect.gather [hbm4b:s5+s16], $0x80, s3, s16, $0xb8;
	[tilespmem:$0x16180] =	vst v63  }
0x4f: {  	_ =	swait.ge [sflag:s18], $0x2800  }
0x50: {  	[sflag:s18] =	ssyncset.done $0x0  }
0x51: {  	s22 =	sadd.s32 s21, s10;
	s21 =	smov.u32 s24;
	[sflag:s18] =	ssyncadd.s32 $0xFFFFD800  }
0x52: {  	[tilespmem:s19], [sflag:$0x2] =	stream.linear.gather [hbm4b:s22+s3], $0x50, $0x38;
	[tilespmem:$0x16180] =	vst v63  }
0x53: {  	_ =	swait.ge [sflag:s15], $0x50  }
.Ltmp3:
0x54: {  	[sflag:s15] =	ssyncset.done $0x0;
	(pc) =	sbr.rel @p2 .LBB2_6-.Ltmp3, $4  }
0x55: {  	[sflag:s15] =	ssyncadd.s32 $0xFFFFFFB0  }
0x56: {  	[spmem:s2] =	stream.indirect.scatter.add.f32 [tilespmem:s17], [sflag:$0x2], $0x80, s19, s16, $0xb8;
	[tilespmem:$0x16180] =	vst v63  }
0x57: {  	_ =	swait.ge [sflag:s15], $0x2800  }
0x58: {  	s22 =	smov.u32 s25;
	[sflag:s15] =	ssyncset.done $0x0  }
.Ltmp4:
0x59: {  	_ = 	snop;
	(pc) =	sbr.rel .LBB2_7-.Ltmp4, $1  }
0x5a: {  	_ =	sdelay $0x3  }
.LBB2_2:
0x5b: {  	[tilespmem:s3], [sflag:$0x2] =	stream.linear.gather [hbm4b:s21+s3], $0x50, $0x38;
	[tilespmem:$0x16180] =	vst v63  }
0x5c: {  	_ =	swait.ge [sflag:s15], $0x50  }
0x5d: {  	[sflag:s15] =	ssyncset.done $0x0  }
0x5e: {  	[sflag:s15] =	ssyncadd.s32 $0xFFFFFFB0  }
0x5f: {  	[tilespmem:s17], [sflag:$0x1] =	stream.indirect.gather [hbm4b:s4+s16], $0x80, s3, s16, $0xb8;
	[tilespmem:$0x16180] =	vst v63  }
0x60: {  	_ =	swait.ge [sflag:s18], $0x2800  }
0x61: {  	[sflag:s18] =	ssyncset.done $0x0  }
0x62: {  	s31 =	sadd.s32 $0x0, s10;
	[sflag:s18] =	ssyncadd.s32 $0xFFFFD800  }
0x63: {  	[tilespmem:s19], [sflag:$0x2] =	stream.linear.gather [hbm4b:s31+s3], $0x50, $0x38;
	[tilespmem:$0x16180] =	vst v63  }
0x64: {  	_ =	swait.ge [sflag:s15], $0x50  }
0x65: {  	[sflag:s15] =	ssyncset.done $0x0  }
0x66: {  	[sflag:s15] =	ssyncadd.s32 $0xFFFFFFB0  }
0x67: {  	[spmem:s2] =	stream.indirect.scatter.add.f32 [tilespmem:s17], [sflag:$0x2], $0x80, s19, s16, $0xb8;
	[tilespmem:$0x16180] =	vst v63  }
0x68: {  	_ =	swait.ge [sflag:s15], $0x2800  }
0x69: {  	s21 =	simm.s32 $0xA;
	s22 =	simm.s32 $0x14;
	[sflag:s15] =	ssyncset.done $0x0  }
.LBB2_3:
0x6a: {  	s23 =	sadd.s32 s21, s11  }
0x6b: {  	[sflag:s15] =	ssyncadd.s32 $0xFFFFD800;
	s24 =	smov.u32 s22;
	s25 =	sadd.s32 $0xA, s22  }
0x6c: {  	[tilespmem:s3], [sflag:$0x2] =	stream.linear.gather [hbm4b:s23+s3], $0x50, $0x38;
	[tilespmem:$0x16180] =	vst v63  }
0x6d: {  	p2 =	seq.s32 s22, $0x9BA;
	_ =	swait.ge [sflag:s15], $0x50  }
0x6e: {  	[sflag:s15] =	ssyncset.done $0x0  }
0x6f: {  	[sflag:s15] =	ssyncadd.s32 $0xFFFFFFB0  }
0x70: {  	[tilespmem:s17], [sflag:$0x1] =	stream.indirect.gather [hbm4b:s4+s16], $0x80, s3, s16, $0xb8;
	[tilespmem:$0x16180] =	vst v63  }
0x71: {  	_ =	swait.ge [sflag:s18], $0x2800  }
0x72: {  	[sflag:s18] =	ssyncset.done $0x0  }
0x73: {  	s22 =	sadd.s32 s21, s10;
	s21 =	smov.u32 s24;
	[sflag:s18] =	ssyncadd.s32 $0xFFFFD800  }
0x74: {  	[tilespmem:s19], [sflag:$0x2] =	stream.linear.gather [hbm4b:s22+s3], $0x50, $0x38;
	[tilespmem:$0x16180] =	vst v63  }
0x75: {  	_ =	swait.ge [sflag:s15], $0x50  }
.Ltmp5:
0x76: {  	[sflag:s15] =	ssyncset.done $0x0;
	(pc) =	sbr.rel @!p2 .LBB2_3-.Ltmp5, $4  }
0x77: {  	[sflag:s15] =	ssyncadd.s32 $0xFFFFFFB0  }
0x78: {  	[spmem:s2] =	stream.indirect.scatter.add.f32 [tilespmem:s17], [sflag:$0x2], $0x80, s19, s16, $0xb8;
	[tilespmem:$0x16180] =	vst v63  }
0x79: {  	_ =	swait.ge [sflag:s15], $0x2800  }
0x7a: {  	s22 =	smov.u32 s25;
	[sflag:s15] =	ssyncset.done $0x0  }
0x7b: {  	s22 =	sadd.s32 s21, s11;
	[sflag:s15] =	ssyncadd.s32 $0xFFFFD800  }
0x7c: {  	[tilespmem:s3], [sflag:$0x2] =	stream.linear.gather [hbm4b:s22+s3], $0x50, $0x38;
	[tilespmem:$0x16180] =	vst v63  }
0x7d: {  	_ =	swait.ge [sflag:s15], $0x50  }
0x7e: {  	[sflag:s15] =	ssyncset.done $0x0  }
0x7f: {  	[sflag:s15] =	ssyncadd.s32 $0xFFFFFFB0  }
0x80: {  	[tilespmem:s17], [sflag:$0x1] =	stream.indirect.gather [hbm4b:s4+s16], $0x80, s3, s16, $0xb8;
	[tilespmem:$0x16180] =	vst v63  }
0x81: {  	_ =	swait.ge [sflag:s18], $0x2800  }
0x82: {  	[sflag:s18] =	ssyncset.done $0x0  }
0x83: {  	s31 =	sadd.s32 s21, s10;
	[sflag:s18] =	ssyncadd.s32 $0xFFFFD800  }
0x84: {  	[tilespmem:s19], [sflag:$0x2] =	stream.linear.gather [hbm4b:s31+s3], $0x50, $0x38;
	[tilespmem:$0x16180] =	vst v63  }
0x85: {  	_ =	swait.ge [sflag:s15], $0x50  }
0x86: {  	[sflag:s15] =	ssyncset.done $0x0  }
.Ltmp6:
0x87: {  	[sflag:s15] =	ssyncadd.s32 $0xFFFFFFB0;
	(pc) =	sbr.rel .LBB2_8-.Ltmp6, $4  }
0x88: {  	[spmem:s2] =	stream.indirect.scatter.add.f32 [tilespmem:s17], [sflag:$0x2], $0x80, s19, s16, $0xb8;
	[tilespmem:$0x16180] =	vst v63  }
0x89: {  	_ =	swait.ge [sflag:s15], $0x2800  }
0x8a: {  	[sflag:s15] =	ssyncset.done $0x0  }
0x8b: {  	[sflag:s15] =	ssyncadd.s32 $0xFFFFD800  }
.LBB2_9:
0x8c: {  	_ =	sfence.sel $0x180000  }
0x8d: {  	[bflag:$0x0] =	sbarrier.arrive $0xFFFF  }
0x8e: {  	p0 =	sne.s32 s1, $0x0;
	_ =	strace $0x9000004D  }
0x8f: {  	s0 =	sadd.s32 @!p0 $0x100000, s0;
	[bflag:$0x2] =	sbarrier.arrive $0xFFFF  }
0x90: {  	[sflag:s0] =	ssyncadd.tile.s32 @!p0 $0x1;
	_ =	shalt  }
.Lfunc_end2:
_tile_overlayer_lowered:
.L_overlay_start_2:
0x91: {  	(tag) =	ssettag $0x2  }
0x92: {  	s0 =	rddreg [dreg:$0x0];
	s2 =	stileid.u32  }
0x93: {  	s1 =	rddreg [dreg:$0x1];
	p0 =	sne.s32 s2, $0x0  }
0x94: {  	s3 =	rddreg [dreg:$0x2];
	[bflag:$0x3] =	sbarrier.arrive $0xFFFF;
	s2 =	simm.s32 @!p0 $0x1C02  }
0x95: {  	[timem:s3], [sflag:s2] =	dma.local @!p0 [hbm:s0], s1  }
0x96: {  	s0 =	simm.s32 @!p0 $0x2  }
0x97: {  	_ =	swait.ge @!p0 [sflag:s0], s1  }
0x98: {  	s1 =	ssub.s32 @!p0 $0x0, s1;
	[sflag:s0] =	ssyncset.done @!p0 $0x0  }
0x99: {  	[sflag:s0] =	ssyncadd.s32 @!p0 s1  }
0x9a: {  	[bflag:$0x3] =	sbarrier.arrive $0xFFFF  }
0x9b: {  	_ =	shalt  }

// kernel: kernel.9.cloned.1.call-start
scs
__scs_entry_jumppad:
0x0: {  	(pc) =	sbr.rel $0x88, $3  }
0x1: {  	(tag) =	ssettag $0x0;
	lr =	simm.s32 $0x1  }
0x2: {  	[smem:$0x3F8C] =	sst lr;
	_ =	strace $0xD0000000  }
0x3: {  	_ = 	snop  }
0x4: {  	_ = 	snop  }
0x5: {  	_ = 	snop  }
0x6: {  	_ = 	snop  }
0x7: {  	_ = 	snop  }
__scs_overlays_trampoline_lowered:
0x8: {  	[smem:$0x3F9B] =	sst s0  }
0x9: {  	[smem:$0x3F9C] =	sst s1  }
0xa: {  	[smem:$0x3F9D] =	sst s2  }
0xb: {  	[smem:$0x3F9E] =	sst s3  }
0xc: {  	[smem:$0x3F9F] =	sst s4  }
0xd: {  	[smem:$0x3FA0] =	sst s5  }
0xe: {  	[smem:$0x3FA1] =	sst s6  }
0xf: {  	[smem:$0x3FA2] =	sst s7  }
0x10: {  	[smem:$0x3FA3] =	sst s8  }
0x11: {  	[smem:$0x3FA4] =	sst s9;
	s0 =	simm.s32 @!p0 $0x0  }
0x12: {  	s1 =	sld [smem:$0x3F8A];
	s0 =	simm.s32 @p0 $0x1  }
0x13: {  	[smem:$0x3FA5] =	sst s0;
	s0 =	simm.s32 @!p1 $0x0  }
0x14: {  	s2 =	sld [smem:$0x3F89];
	s0 =	simm.s32 @p1 $0x1  }
0x15: {  	[smem:$0x3FA6] =	sst s0;
	s0 =	simm.s32 @!p2 $0x0  }
0x16: {  	s3 =	sld [smem:$0x3FDB];
	s0 =	simm.s32 @p2 $0x1  }
0x17: {  	s4 =	simm.s32 $0x1BF5;
	[smem:$0x3FA8] =	sst s0  }
0x18: {  	s0 =	sld [smem:$0x3F8B];
	_ =	swait.ge [sflag:s4], $0x0  }
0x19: {  	s7 =	sld [smem:$0x3F8C]  }
0x1a: {  	s8 =	sadd.s32 $0xFFFFE003, lr  }
0x1b: {  	s9 =	sadd.s32 $0xFFFFFEF7, lr;
	s5 =	simm.s32 $0xFFFFFFFF;
	p2 =	slt.u32 s8, $0xFFFFF086  }
0x1c: {  	p1 =	slt.u32 s9, $0xF7A;
	s5 =	simm.s32 @!p2 $0x0  }
0x1d: {  	s5 =	simm.s32 @p1 $0x1;
	p0 =	seq.s32 s7, s2  }
0x1e: {  	s7 =	smul.u32 @!p0 $0xF7A, s2;
	p2 =	seq.s32 @!p0 s5, $0x0  }
0x1f: {  	s9 =	smul.u32 $0xF7A, s1;
	s8 =	simm.s32 @!p0 $0x1BF5;
	p2 =	por !p2, p0  }
0x20: {  	[sflag:s8] =	ssyncset.s32 @!p0 $0xFFFFF086;
	s6 =	sadd.s32 @!p0 s3, s7;
	s7 =	simm.s32 @!p0 $0x108  }
0x21: {  	s3 =	sadd.s32 s3, s9;
	s6 =	sadd.s32 @!p0 $0x88, s6;
	s7 =	simm.s32 @p2 $0x1082  }
0x22: {  	[simem:s7], [sflag:s8] =	dma.local @!p0 [hbm:s6], $0xF7A  }
0x23: {  	s9 =	sor.u32 $0xD0000000, s2;
	s6 =	simm.s32 $0x108;
	_ =	swait.ge @!p0 [sflag:s8], $0x0  }
0x24: {  	s3 =	sadd.s32 $0x88, s3;
	s6 =	simm.s32 @!p1 $0x1082;
	[sflag:s4] =	ssyncset.s32 $0xFFFFF086  }
0x25: {  	[simem:s6], [sflag:s4] =	dma.local [hbm:s3], $0xF7A  }
0x26: {  	[smem:$0x3F8C] =	sst s1;
	(tag) =	ssettag s2;
	_ =	strace s9  }
0x27: {  	s1 =	sld [smem:$0x3F9C]  }
0x28: {  	s2 =	sld [smem:$0x3F9D]  }
0x29: {  	s4 =	sld [smem:$0x3F9F]  }
0x2a: {  	p0 =	seq.s32 s5, $0x0;
	s5 =	sld [smem:$0x3FA0]  }
0x2b: {  	s6 =	sld [smem:$0x3FA1]  }
0x2c: {  	s7 =	sld [smem:$0x3FA2]  }
0x2d: {  	s3 =	simm.s32 $0x108;
	s8 =	sld [smem:$0x3FA3]  }
0x2e: {  	s3 =	simm.s32 @!p0 $0x1082;
	s9 =	sld [smem:$0x3FA4]  }
0x2f: {  	lr =	sadd.s32 s0, s3;
	s0 =	sld [smem:$0x3F9B]  }
0x30: {  	s3 =	sld [smem:$0x3F9E]  }
0x31: {  	[smem:$0x3FA7] =	sst s10  }
0x32: {  	s10 =	sld [smem:$0x3FA5];
	_ =	sdelay $0x3  }
0x33: {  	p0 =	seq.s32 s10, $0x1;
	s10 =	sld [smem:$0x3FA7];
	_ =	sdelay $0x3  }
0x34: {  	[smem:$0x3FA7] =	sst s10  }
0x35: {  	s10 =	sld [smem:$0x3FA6];
	_ =	sdelay $0x3  }
0x36: {  	p1 =	seq.s32 s10, $0x1;
	s10 =	sld [smem:$0x3FA7];
	_ =	sdelay $0x3  }
0x37: {  	[smem:$0x3FA7] =	sst s10  }
0x38: {  	s10 =	sld [smem:$0x3FA8]  }
0x39: {  	_ = 	snop;
	(pc) =	sbr.ind lr, $3  }
0x3a: {  	_ = 	snop  }
0x3b: {  	_ = 	snop  }
0x3c: {  	p2 =	seq.s32 s10, $0x1;
	s10 =	sld [smem:$0x3FA7]  }
0x3d: {  	_ =	shalt  }
0x3e: {  	_ =	shalt  }
0x3f: {  	_ =	shalt  }
0x40: {  	_ =	shalt  }
0x41: {  	_ =	shalt  }
0x42: {  	_ =	shalt  }
0x43: {  	_ =	shalt  }
0x44: {  	_ =	shalt  }
0x45: {  	_ =	shalt  }
0x46: {  	_ =	shalt  }
0x47: {  	_ =	shalt  }
0x48: {  	_ =	shalt  }
0x49: {  	_ =	shalt  }
0x4a: {  	_ =	shalt  }
0x4b: {  	_ =	shalt  }
0x4c: {  	_ =	shalt  }
0x4d: {  	_ =	shalt  }
0x4e: {  	_ =	shalt  }
0x4f: {  	_ =	shalt  }
0x50: {  	_ =	shalt  }
0x51: {  	_ =	shalt  }
0x52: {  	_ =	shalt  }
0x53: {  	_ =	shalt  }
0x54: {  	_ =	shalt  }
0x55: {  	_ =	shalt  }
0x56: {  	_ =	shalt  }
0x57: {  	_ =	shalt  }
0x58: {  	_ =	shalt  }
0x59: {  	_ =	shalt  }
0x5a: {  	_ =	shalt  }
0x5b: {  	_ =	shalt  }
0x5c: {  	_ =	shalt  }
0x5d: {  	_ =	shalt  }
0x5e: {  	_ =	shalt  }
0x5f: {  	_ =	shalt  }
0x60: {  	_ =	shalt  }
0x61: {  	_ =	shalt  }
0x62: {  	_ =	shalt  }
0x63: {  	_ =	shalt  }
0x64: {  	_ =	shalt  }
0x65: {  	_ =	shalt  }
0x66: {  	_ =	shalt  }
0x67: {  	_ =	shalt  }
0x68: {  	_ =	shalt  }
0x69: {  	_ =	shalt  }
0x6a: {  	_ =	shalt  }
0x6b: {  	_ =	shalt  }
0x6c: {  	_ =	shalt  }
0x6d: {  	_ =	shalt  }
0x6e: {  	_ =	shalt  }
0x6f: {  	_ =	shalt  }
0x70: {  	_ =	shalt  }
0x71: {  	_ =	shalt  }
0x72: {  	_ =	shalt  }
0x73: {  	_ =	shalt  }
0x74: {  	_ =	shalt  }
0x75: {  	_ =	shalt  }
0x76: {  	_ =	shalt  }
0x77: {  	_ =	shalt  }
0x78: {  	_ =	shalt  }
0x79: {  	_ =	shalt  }
0x7a: {  	_ =	shalt  }
0x7b: {  	_ =	shalt  }
0x7c: {  	_ =	shalt  }
0x7d: {  	_ =	shalt  }
0x7e: {  	_ =	shalt  }
0x7f: {  	_ =	shalt  }
0x80: {  	_ =	shalt  }
0x81: {  	_ =	shalt  }
0x82: {  	_ =	shalt  }
0x83: {  	_ =	shalt  }
0x84: {  	_ =	shalt  }
0x85: {  	_ =	shalt  }
0x86: {  	_ =	shalt  }
0x87: {  	_ =	shalt  }
.Lfunc_end0:
.L_simem_size_0:
called_computation_lowered:
.L_overlay_start_0:
0x88: {  	s2 =	sld [smem:$0x3FD9]  }
0x89: {  	s3 =	sld [smem:$0x3FFE];
	_ =	sdelay $0x1  }
0x8a: {  	s1 =	srdreg.scid  }
0x8b: {  	s0 =	sand.u32 $0x1, s1  }
0x8c: {  	s17 =	sshll.u32 s0, $0xA;
	s2 =	sadd.s32 s3, s2  }
0x8d: {  	s2 =	sadd.s32 s2, s17  }
0x8e: {  	[smem:$0x3FB3] =	sst s2  }
0x8f: {  	_ = 	snop  }
0x90: {  	s2 =	sld [smem:$0x3FD0];
	(tm) =	ssettm $0x1  }
0x91: {  	s18 =	sld [smem:$0x3FFB];
	_ =	sdelay $0x3  }
0x92: {  	_ =	strace s18  }
0x93: {  	s3 =	sld [smem:$0x3FFC];
	_ =	sdelay $0x3  }
0x94: {  	_ =	strace s3  }
0x95: {  	s3 =	sld [smem:$0x3FFD];
	_ =	sdelay $0x3  }
0x96: {  	_ =	strace s3  }
0x97: {  	_ =	strace $0x8FFFFFFF  }
0x98: {  	s19 =	sld [smem:$0x3FDB];
	_ =	sdelay $0x1  }
0x99: {  	s4 =	simm.s32 $_scs_section_size  }
0x9a: {  	s5 =	simm.s32 $_size__tile_overlayer_lowered;
	s6 =	simm.s32 $_tile_overlayer_lowered  }
0x9b: {  	s22 =	simm.s32 $0x1BFF;
	s21 =	sshll.u32 s6, $0x1;
	s3 =	sadd.s32 s4, s19  }
0x9c: {  	s7 =	simm.s32 $0x0;
	s20 =	sshll.u32 s5, $0x1;
	s5 =	sadd.s32 s21, s3  }
0x9d: {  	[timem:s7], [sflag:s22] =	dma.local [hbm:s5], s20  }
0x9e: {  	_ =	swait.ge [sflag:s22], s20  }
0x9f: {  	s4 =	ssub.s32 $0x0, s20;
	[sflag:s22] =	ssyncset.done $0x0  }
0xa0: {  	[sflag:s22] =	ssyncadd.s32 s4;
	_ =	sdelay $0x1  }
0xa1: {  	s23 =	simm.s32 $0x1B8B  }
0xa2: {  	_ =	swait.ge [sflag:s23], $0x1  }
0xa3: {  	[sflag:s23] =	ssyncset.done $0x0  }
0xa4: {  	s25 =	simm.s32 $0x1B8E;
	s24 =	sld [smem:$0x3FFE];
	[sflag:s23] =	ssyncadd.s32 $0xFFFFFFFF  }
0xa5: {  	s26 =	simm.s32 $execute0_lowered;
	[smem:$0x3FD2] =	sst s25  }
0xa6: {  	s5 =	sshll.u32 s26, $0x1;
	_ =	strace $0x80000046;
	[dreg:$0x1] =	wrdreg $0xFFFFFFFF  }
0xa7: {  	s28 =	simm.s32 $_size_execute0_lowered;
	s3 =	sadd.s32 s3, s5;
	[dreg:$0x0] =	wrdreg $0x0  }
0xa8: {  	s5 =	sshll.u32 s28, $0x1;
	[dreg:$0x2] =	wrdreg s3  }
0xa9: {  	[dreg:$0x3] =	wrdreg s5  }
0xaa: {  	[dreg:$0x4] =	wrdreg $0xC0  }
0xab: {  	_ =	task [dreg:s7], $0x5FFFF  }
0xac: {  	[dreg:$0x1] =	wrdreg $0xFFFFFFFF  }
0xad: {  	[dreg:$0x0] =	wrdreg $0x60  }
0xae: {  	[dreg:$0x2] =	wrdreg s24  }
0xaf: {  	[dreg:$0x3] =	wrdreg s2  }
0xb0: {  	[dreg:$0x4] =	wrdreg $0x1000  }
0xb1: {  	[dreg:$0x5] =	wrdreg $0x9  }
0xb2: {  	_ =	task.clear_ibuf [dreg:s7], $0x6FFFF;
	_ =	strace $0x90000046  }
0xb3: {  	s29 =	simm.s32 $0x9;
	_ =	strace $0x80000048  }
0xb4: {  	_ =	swait.ge [sflag:s29], $0x1  }
0xb5: {  	[sflag:s29] =	ssyncadd.s32 $0xFFFFFFFF  }
0xb6: {  	_ =	strace $0x90000048  }
0xb7: {  	_ =	sfence  }
0xb8: {  	s30 =	sld [smem:$0x0];
	_ =	sdelay $0x2  }
0xb9: {  	s31 =	sshll.u32 s1, $0xD;
	s1 =	sshrl.u32 s1, $0x2  }
0xba: {  	s3 =	sand.u32 $0x4000, s31;
	s1 =	sadd.s32 s1, s30  }
0xbb: {  	s0 =	sor.u32 s3, s0;
	s1 =	sshll.u32 s1, $0x11  }
0xbc: {  	s0 =	sor.u32 s1, s0  }
0xbd: {  	s0 =	sadd.s32 $0x8F2B, s0  }
0xbe: {  	[sflag:s0] =	ssyncadd.remote.s32 $0x1  }
0xbf: {  	_ =	sfence.sel $0xFFFF  }
0xc0: {  	[dreg:$0x0] =	wrdreg $0xFFFFFFFF;
	(pc) =	sbr.abs _section_cstart, $3  }
0xc1: {  	[dreg:$0x1] =	wrdreg $0xFFFFFFFF  }
0xc2: {  	_ =	task.clear_ibuf [dreg:s7], $0x2FFFF;
	_ =	strace $0x9FFFFFFF  }
0xc3: {  	(tm) =	ssettm $0x7FFFFFFF  }
tec
execute0_lowered:
.L_overlay_start_1:
0x0: {  	(tag) =	ssettag $0x1  }
0x1: {  	s4 =	rddreg [dreg:$0x0]  }
0x2: {  	s0 =	rddreg [dreg:$0x1];
	s1 =	srdreg.scid  }
0x3: {  	s6 =	stileid.u32;
	s2 =	rddreg [dreg:$0x2]  }
0x4: {  	s3 =	simm.s32 $0x0;
	s10 =	simm.s32 $0x80;
	s11 =	simm.s32 $0x0  }
0x5: {  	s5 =	sand.u32 $0x1, s1;
	s7 =	smul.u32 $0x4E20, s6;
	s1 =	rddreg [dreg:$0x3]  }
0x6: {  	[smem:$0x7FF] =	sst s3;
	s8 =	smul.u32 $0x2710, s5;
	s30 =	ssub.s32 $0x2, s5  }
0x7: {  	p0 =	sne.s32 s6, $0x0;
	_ =	strace $0x80000047;
	s9 =	sshrl.u32 s30, $0x1  }
0x8: {  	s5 =	sshll.u32 s5, $0x4;
	s7 =	sadd.s32 s8, s7;
	s31 =	ssub.s32 s30, s9  }
0x9: {  	s8 =	simm.s32 $0x1;
	s9 =	simm.s32 $0x50;
	s7 =	sshrl.u32 s7, $0x3  }
0xa: {  	s7 =	sadd.s32 s7, s4;
	s4 =	sadd.s32 s5, s4;
	s5 =	smax.u32 s31, $0x1  }
0xb: {  	v0 =	vimm.f32 $1.000000000e+00;
	s4 =	sadd.s32 $0x17200, s4;
	s6 =	sadd.s32 $0xD400, s7;
	s7 =	sshrl.u32 @!p0 s2, $0x3  }
.LBB2_1:
0xc: {  	s12 =	simm.s32 @!p0 $0x1C01  }
0xd: {  	[spmem:s7], [sflag:s12] =	dma.local @!p0 [hbm:s0], $0x4F0  }
0xe: {  	s12 =	simm.s32 @!p0 $0x1  }
0xf: {  	_ =	swait.ge @!p0 [sflag:s12], $0x4F0  }
0x10: {  	[sflag:s12] =	ssyncset.done @!p0 $0x0  }
0x11: {  	[sflag:s12] =	ssyncadd.s32 @!p0 $0xFFFFFB10  }
0x12: {  	[tilespmem:$0x80] =	vst v0  }
0x13: {  	[tilespmem:$0x90] =	vst v0  }
0x14: {  	[tilespmem:$0xA0] =	vst v0  }
0x15: {  	[tilespmem:$0xB0] =	vst v0  }
0x16: {  	[tilespmem:$0xC0] =	vst v0  }
0x17: {  	s31 =	sadd.s32 $0x0, s6;
	[bflag:$0x0] =	sbarrier.arrive $0xFFFF  }
0x18: {  	[tilespmem:s3], [sflag:$0x1] =	stream.linear.gather [hbm4b:s31+s3], $0x50, $0x38;
	[tilespmem:$0x378] =	vst v63  }
0x19: {  	_ =	swait.ge [sflag:s8], $0x50  }
0x1a: {  	[sflag:s8] =	ssyncset.done $0x0  }
0x1b: {  	[sflag:s8] =	ssyncadd.s32 $0xFFFFFFB0  }
0x1c: {  	[spmem:s2] =	stream.indirect.scatter.add.f32 [tilespmem:s10], [sflag:$0x1], $0x1, s3, s9, $0xb8;
	[tilespmem:$0x378] =	vst v63  }
0x1d: {  	_ =	swait.ge [sflag:s8], $0x50  }
0x1e: {  	s13 =	simm.s32 $0x14;
	s12 =	simm.s32 $0xA;
	[sflag:s8] =	ssyncset.done $0x0  }
.LBB2_2:
0x1f: {  	s14 =	sadd.s32 s12, s6  }
0x20: {  	[sflag:s8] =	ssyncadd.s32 $0xFFFFFFB0;
	s12 =	smov.u32 s13;
	s15 =	sadd.s32 $0xA, s13  }
0x21: {  	[tilespmem:s3], [sflag:$0x1] =	stream.linear.gather [hbm4b:s14+s3], $0x50, $0x38;
	[tilespmem:$0x378] =	vst v63  }
0x22: {  	p1 =	sne.s32 s13, $0x4D8;
	_ =	swait.ge [sflag:s8], $0x50  }
.Ltmp0:
0x23: {  	[sflag:s8] =	ssyncset.done $0x0;
	(pc) =	sbr.rel @p1 .LBB2_2-.Ltmp0, $4  }
0x24: {  	[sflag:s8] =	ssyncadd.s32 $0xFFFFFFB0  }
0x25: {  	[spmem:s2] =	stream.indirect.scatter.add.f32 [tilespmem:s10], [sflag:$0x1], $0x1, s3, s9, $0xb8;
	[tilespmem:$0x378] =	vst v63  }
0x26: {  	_ =	swait.ge [sflag:s8], $0x50  }
0x27: {  	s13 =	smov.u32 s15;
	[sflag:s8] =	ssyncset.done $0x0  }
0x28: {  	s12 =	sadd.s32 s12, s6;
	[sflag:s8] =	ssyncadd.s32 $0xFFFFFFB0  }
0x29: {  	[tilespmem:s3], [sflag:$0x1] =	stream.linear.gather [hbm4b:s12+s3], $0x50, $0x38;
	[tilespmem:$0x378] =	vst v63  }
0x2a: {  	_ =	swait.ge [sflag:s8], $0x50  }
0x2b: {  	[sflag:s8] =	ssyncset.done $0x0  }
0x2c: {  	[sflag:s8] =	ssyncadd.s32 $0xFFFFFFB0  }
0x2d: {  	[spmem:s2] =	stream.indirect.scatter.add.f32 [tilespmem:s10], [sflag:$0x1], $0x1, s3, s9, $0xb8;
	[tilespmem:$0x378] =	vst v63  }
0x2e: {  	s13 =	simm.s32 @!p0 $0x20;
	_ =	swait.ge [sflag:s8], $0x50  }
0x2f: {  	s14 =	simm.s32 @!p0 $0x10;
	s11 =	sadd.s32 $0x1, s11;
	[sflag:s8] =	ssyncset.done $0x0  }
0x30: {  	s15 =	simm.s32 @!p0 $0x1C01;
	p1 =	sne.s32 s11, s5;
	[sflag:s8] =	ssyncadd.s32 $0xFFFFFFB0  }
.Ltmp1:
0x31: {  	s12 =	simm.s32 @!p0 $0x1;
	[bflag:$0x0] =	sbarrier.arrive $0xFFFF;
	(pc) =	sbr.rel @p1 .LBB2_1-.Ltmp1, $4  }
0x32: {  	[hbm:s4@s13], [sflag:s15] =	dma.strided @!p0 [spmem:s7@s14], $0x4F0, s12, $0x10   }
0x33: {  	_ =	swait.ge @!p0 [sflag:s12], $0x4F0  }
0x34: {  	[sflag:s12] =	ssyncset.done @!p0 $0x0  }
0x35: {  	[sflag:s12] =	ssyncadd.s32 @!p0 $0xFFFFFB10  }
0x36: {  	_ =	sfence.sel $0x180000  }
0x37: {  	[bflag:$0x0] =	sbarrier.arrive $0xFFFF  }
0x38: {  	_ =	strace $0x90000047  }
0x39: {  	s0 =	sadd.s32 @!p0 $0x100000, s1;
	[bflag:$0x2] =	sbarrier.arrive $0xFFFF  }
0x3a: {  	[sflag:s0] =	ssyncadd.tile.s32 @!p0 $0x1;
	_ =	shalt  }
.Lfunc_end2:
_tile_overlayer_lowered:
.L_overlay_start_2:
0x3b: {  	(tag) =	ssettag $0x2  }
0x3c: {  	s0 =	rddreg [dreg:$0x0];
	s2 =	stileid.u32  }
0x3d: {  	s1 =	rddreg [dreg:$0x1];
	p0 =	sne.s32 s2, $0x0  }
0x3e: {  	s3 =	rddreg [dreg:$0x2];
	[bflag:$0x3] =	sbarrier.arrive $0xFFFF;
	s2 =	simm.s32 @!p0 $0x1C01  }
0x3f: {  	[timem:s3], [sflag:s2] =	dma.local @!p0 [hbm:s0], s1  }
0x40: {  	s0 =	simm.s32 @!p0 $0x1  }
0x41: {  	_ =	swait.ge @!p0 [sflag:s0], s1  }
0x42: {  	s1 =	ssub.s32 @!p0 $0x0, s1;
	[sflag:s0] =	ssyncset.done @!p0 $0x0  }
0x43: {  	[sflag:s0] =	ssyncadd.s32 @!p0 s1  }
0x44: {  	[bflag:$0x3] =	sbarrier.arrive $0xFFFF  }
0x45: {  	_ =	shalt  }

</sc_bundles>
